<compile_context>
chip_gen: v7x
topology: tpu7x:2x2x1
jax: 0.10.2.dev20260603
libtpu: 0.0.44.dev20260713+nightly
codegen_flags: <defaults>
</compile_context>

<pallas_src>
import functools
import jax
import jax.numpy as jnp
from jax import lax
from jax.experimental import pallas as pl
from jax.experimental.pallas import tpu as pltpu
from jax.experimental.pallas import tpu_sc as plsc

NN = 10000
NE = 320000
DIN = 128
DHID = 128
NCLS = 40

NC = 2
NS = 16
NW = NC * NS
EPW = NE // NW
CH = 40
NCHUNK = EPW // CH
NNP = 10240
RPT = NNP // NS
CHP = 128
NCHP = 79
EP = NW * NCHP * CHP

_mesh = plsc.VectorSubcoreMesh(core_axis_name="c", subcore_axis_name="s")


def _zero_shared(zb, shared, s, d):
    nr = zb.shape[0]
    def zrow(i, _):
        for k in range(d // 16):
            zb[i, pl.ds(k * 16, 16)] = jnp.zeros((16,), jnp.float32)
        return _
    lax.fori_loop(0, nr, zrow, 0)
    for r in range(RPT // nr):
        pltpu.sync_copy(zb, shared.at[pl.ds(s * RPT + r * nr, nr)])
    rem = RPT % nr
    if rem:
        pltpu.sync_copy(zb.at[pl.ds(0, rem)],
                        shared.at[pl.ds(s * RPT + (RPT // nr) * nr, rem)])


def _copy_out(shared, out_hbm, c, s):
    pltpu.sync_copy(shared.at[pl.ds(s * RPT, RPT)],
                    out_hbm.at[c, pl.ds(s * RPT, RPT)])


@functools.partial(
    pl.kernel,
    out_type=jax.ShapeDtypeStruct((NW, NN), jnp.float32),
    mesh=_mesh,
    scratch_types=[
        pltpu.VMEM((EPW,), jnp.int32),
        pltpu.VMEM((NN,), jnp.float32),
    ],
    compiler_params=pltpu.CompilerParams(needs_layout_passes=False),
)
def _sc_deg(dst_hbm, out_hbm, idxv, degv):
    c = lax.axis_index("c")
    s = lax.axis_index("s")
    wid = s * NC + c
    def zr(i, _):
        degv[pl.ds(i * 16, 16)] = jnp.zeros((16,), jnp.float32)
        return _
    lax.fori_loop(0, NN // 16, zr, 0)
    pltpu.sync_copy(dst_hbm.at[wid], idxv)
    ones = jnp.ones((16,), jnp.float32)
    def step(i, _):
        plsc.addupdate_scatter(degv, [idxv[pl.ds(i * 16, 16)]], ones)
        return _
    lax.fori_loop(0, EPW // 16, step, 0)
    pltpu.sync_copy(degv, out_hbm.at[wid])


def _make_sc_scatter(d):
    @functools.partial(
        pl.kernel,
        out_type=jax.ShapeDtypeStruct((NC, NNP, d), jnp.float32),
        mesh=_mesh,
        scratch_types=[
            pltpu.VMEM((16, CHP), jnp.int32),
            pltpu.VMEM((16, CHP), jnp.int32),
            pltpu.VMEM((2 * CHP, d), jnp.float32),
            pltpu.VMEM_SHARED((NNP, d), jnp.float32),
            pltpu.SemaphoreType.DMA,
            pltpu.SemaphoreType.DMA,
        ],
    )
    def _sc_scatter(src_hbm, dst_hbm, h_hbm, out_hbm,
                    srcb, dstb, rows, shared, semg, semi):
        c = lax.axis_index("c")
        s = lax.axis_index("s")
        wid = s * NC + c
        _zero_shared(rows, shared, s, d)
        plsc.subcore_barrier()

        last = NCHP - 1

        def gd(p):
            off = pl.multiple_of(p * CHP, 8)
            return pltpu.make_async_copy(
                h_hbm.at[srcb.at[p * 8]], rows.at[pl.ds(off, CHP)], semg)

        def ib(j, p):
            off = pl.multiple_of(p * 8, 8)
            return (pltpu.make_async_copy(src_hbm.at[wid, j],
                                          srcb.at[pl.ds(off, 1)], semi),
                    pltpu.make_async_copy(dst_hbm.at[wid, j],
                                          dstb.at[pl.ds(off, 1)], semi))

        a, b = ib(0, 0)
        a.start(); b.start(); a.wait(); b.wait()
        gd(0).start()
        a, b = ib(1, 1)
        a.start(); b.start()

        def chunk(j, _):
            p = j % 2
            q = 1 - p
            gd(p).wait()
            aw, bw = ib(jnp.minimum(j + 1, last), q)
            aw.wait(); bw.wait()
            gd(q).start()
            pltpu.sync_copy(rows.at[pl.ds(pl.multiple_of(p * CHP, 8), CHP)],
                            shared.at[dstb.at[p * 8]], add=True)
            an, bn = ib(jnp.minimum(j + 2, last), p)
            an.start(); bn.start()
            return _
        lax.fori_loop(0, NCHP, chunk, 0)
        gd(1).wait()
        a, b = ib(last, 0)
        a.wait(); b.wait()
        plsc.subcore_barrier()
        _copy_out(shared, out_hbm, c, s)
    return _sc_scatter

_sc_scatter128 = _make_sc_scatter(DHID)


def _dinv_of(dp):
    return lax.rsqrt(1.0 + jnp.sum(dp, axis=0))[:, None]


def _tc_a_body(x_ref, w1_ref, dp_ref, hp_ref):
    dinv = _dinv_of(dp_ref[...])
    h = jnp.dot(x_ref[...], w1_ref[...], preferred_element_type=jnp.float32)
    hp_ref[...] = h * dinv


def _tc_c_body(p_ref, hp_ref, dp_ref, b1_ref, g_ref):
    dinv = _dinv_of(dp_ref[...])
    ssum = p_ref[0, :NN] + p_ref[1, :NN] + hp_ref[...]
    h1 = jnp.maximum(ssum * dinv + b1_ref[...], 0.0)
    g_ref[...] = h1 * dinv


def _tc_e_body(q_ref, g_ref, dp_ref, w2_ref, b2_ref, out_ref):
    dinv = _dinv_of(dp_ref[...])
    t = q_ref[0, :NN] + q_ref[1, :NN] + g_ref[...]
    z = jnp.dot(t, w2_ref[...], preferred_element_type=jnp.float32) * dinv
    z = z + b2_ref[...]
    m = jnp.max(z, axis=1, keepdims=True)
    lse = jnp.log(jnp.sum(jnp.exp(z - m), axis=1, keepdims=True))
    out_ref[...] = z - m - lse


def _tc_a(x, w1, dp):
    return pl.pallas_call(
        _tc_a_body,
        out_shape=jax.ShapeDtypeStruct((NN, DHID), jnp.float32),
    )(x, w1, dp)


def _tc_c(p, hp, dp, b1):
    return pl.pallas_call(
        _tc_c_body,
        out_shape=jax.ShapeDtypeStruct((NN, DHID), jnp.float32),
    )(p, hp, dp, b1)


def _tc_e(q, g, dp, w2, b2):
    return pl.pallas_call(
        _tc_e_body,
        out_shape=jax.ShapeDtypeStruct((NN, NCLS), jnp.float32),
    )(q, g, dp, w2, b2)


@jax.jit
def kernel(x, edge_index, W1, b1, W2, b2):
    src = jnp.concatenate(
        [edge_index[0], jnp.zeros((EP - NE,), jnp.int32)]).reshape(
            NW, NCHP, 1, CHP)
    dst = jnp.concatenate(
        [edge_index[1], jnp.full((EP - NE,), NN, jnp.int32)]).reshape(
            NW, NCHP, 1, CHP)
    dp = _sc_deg(edge_index[1].reshape(NW, EPW))
    hp = _tc_a(x, W1, dp)
    p = _sc_scatter128(src, dst, hp)
    g = _tc_c(p, hp, dp, b1.reshape(1, DHID))
    q = _sc_scatter128(src, dst, g)
    return _tc_e(q, g, dp, W2, b2.reshape(1, NCLS))

# --- scband reference (transcript-rebuilt; emitter-appended) ---
"""Pipeline reference for scband-net-27908697490044 (READ-ONLY COPY).

The authoritative reference and input builder live on the scoring server;
editing this copy changes nothing except your own understanding.
"""

import jax, jax.numpy as jnp
import numpy as np

N = 10000
E = 320000
D_IN = 128
D_HID = 128
N_CLASSES = 40


def setup_inputs(seed: int = 0) -> dict:
    key = jax.random.key(seed)
    k1, k2, k3, k4, k5, k6 = jax.random.split(key, 6)
    x = jax.random.normal(k1, (N, D_IN), dtype=jnp.float32)
    edge_index = jax.random.randint(k2, (2, E), 0, N, dtype=jnp.int32)
    W1 = jax.random.normal(k3, (D_IN, D_HID), dtype=jnp.float32) * (1.0 / np.sqrt(D_IN))
    b1 = jnp.zeros((D_HID,), dtype=jnp.float32)
    W2 = jax.random.normal(k4, (D_HID, N_CLASSES), dtype=jnp.float32) * (1.0 / np.sqrt(D_HID))
    b2 = jnp.zeros((N_CLASSES,), dtype=jnp.float32)
    return {"x": x, "edge_index": edge_index, "W1": W1, "b1": b1, "W2": W2, "b2": b2}


def _gcn_conv(x, edge_index, W, b):
    # GCNConv: out = D^{-1/2} (A + I) D^{-1/2} (x @ W) + b  (a_hat_hat normalization)
    n = x.shape[0]
    self_loop = jnp.arange(n, dtype=edge_index.dtype)
    src = jnp.concatenate([edge_index[0], self_loop])
    dst = jnp.concatenate([edge_index[1], self_loop])
    deg = jnp.zeros((n,), dtype=x.dtype).at[dst].add(1.0)
    dinv_sqrt = jnp.where(deg > 0, 1.0 / jnp.sqrt(deg), 0.0)
    norm = dinv_sqrt[src] * dinv_sqrt[dst]
    h = x @ W
    msg = jnp.take(h, src, axis=0) * norm[:, None]
    out = jax.ops.segment_sum(msg, dst, num_segments=n)
    return out + b


def reference(x, edge_index, W1, b1, W2, b2):
    h = jax.nn.relu(_gcn_conv(x, edge_index, W1, b1))
    h = _gcn_conv(h, edge_index, W2, b2)
    return jax.nn.log_softmax(h, axis=1)

if __name__ == "__main__":
    import jax
    _d = setup_inputs()
    print(jax.jit(kernel)(*tuple(_d.values())))

</pallas_src>

<mosaic_0001>
#map = affine_map<(d0, d1) -> (0, 0, 0, 0)>
#map1 = affine_map<(d0, d1) -> (0, 0)>
#map2 = affine_map<(d0, d1) -> (0, 0, 0)>
module attributes {stable_mosaic.version = 14 : i64} {
  func.func @_sc_scatter(%arg0: i32, %arg1: i32, %arg2: memref<32x79x1x128xi32, #tpu.memory_space<hbm>>, %arg3: memref<32x79x1x128xi32, #tpu.memory_space<hbm>>, %arg4: memref<10000x128xf32, #tpu.memory_space<hbm>>, %arg5: memref<2x10240x128xf32, #tpu.memory_space<hbm>>, %arg6: memref<16x128xi32, #tpu.memory_space<vmem>>, %arg7: memref<16x128xi32, #tpu.memory_space<vmem>>, %arg8: memref<256x128xf32, #tpu.memory_space<vmem>>, %arg9: memref<10240x128xf32, #tpu.memory_space<vmem_shared>>, %arg10: memref<!tpu.dma_semaphore, #tpu.memory_space<semaphore_mem>>, %arg11: memref<!tpu.dma_semaphore, #tpu.memory_space<semaphore_mem>>) attributes {dimension_semantics = [#tpu.dimension_semantics<core_parallel>, #tpu.dimension_semantics<subcore_parallel>], iteration_bounds = array<i64: 2, 16>, scalar_prefetch = 0 : i64, scratch_operands = 6 : i64, tpu.core_type = #tpu.core_type<sc_vector_subcore>, window_params = [{transform_indices = #map}, {transform_indices = #map}, {transform_indices = #map1}, {transform_indices = #map2}]} {
    %mul3A = arith.constant 2 : i32
    %mul3A_0 = arith.muli %arg1, %mul3A : i32
    %add3A = arith.addi %mul3A_0, %arg0 : i32
    %scan3A = arith.constant 0 : i32
    %scan3A_1 = arith.constant 0 : i32
    %scan3A_2 = arith.constant 256 : i32
    %scan3A_3 = arith.addi %scan3A_1, %scan3A_2 : i32
    %scan3A_4 = arith.constant 1 : i32
    scf.for %scan3A_158 = %scan3A_1 to %scan3A_3 step %scan3A_4  : i32 {
      %broadcast_in_dim3A = arith.constant 0.000000e+00 : f32
      %broadcast_in_dim3A_159 = vector.broadcast %broadcast_in_dim3A : f32 to vector<16xf32>
      %swap3A = arith.index_cast %scan3A_158 : i32 to index
      %swap3A_160 = arith.constant 0 : index
      %swap3A_161 = tpu.vector_load %arg8[%swap3A, %swap3A_160] {strides = array<i32>} : memref<256x128xf32, #tpu.memory_space<vmem>>, vector<1x16xf32>,
      %swap3A_162 = vector.shape_cast %swap3A_161 : vector<1x16xf32> to vector<16xf32>
      %swap3A_163 = vector.shape_cast %broadcast_in_dim3A_159 : vector<16xf32> to vector<1x16xf32>
      tpu.vector_store %arg8[%swap3A, %swap3A_160], %swap3A_163 {strides = array<i32>} : memref<256x128xf32, #tpu.memory_space<vmem>>, vector<1x16xf32>,
      %broadcast_in_dim3A_164 = arith.constant 0.000000e+00 : f32
      %broadcast_in_dim3A_165 = vector.broadcast %broadcast_in_dim3A_164 : f32 to vector<16xf32>
      %swap3A_166 = arith.index_cast %scan3A_158 : i32 to index
      %swap3A_167 = arith.constant 16 : index
      %swap3A_168 = tpu.vector_load %arg8[%swap3A_166, %swap3A_167] {strides = array<i32>} : memref<256x128xf32, #tpu.memory_space<vmem>>, vector<1x16xf32>,
      %swap3A_169 = vector.shape_cast %swap3A_168 : vector<1x16xf32> to vector<16xf32>
      %swap3A_170 = vector.shape_cast %broadcast_in_dim3A_165 : vector<16xf32> to vector<1x16xf32>
      tpu.vector_store %arg8[%swap3A_166, %swap3A_167], %swap3A_170 {strides = array<i32>} : memref<256x128xf32, #tpu.memory_space<vmem>>, vector<1x16xf32>,
      %broadcast_in_dim3A_171 = arith.constant 0.000000e+00 : f32
      %broadcast_in_dim3A_172 = vector.broadcast %broadcast_in_dim3A_171 : f32 to vector<16xf32>
      %swap3A_173 = arith.index_cast %scan3A_158 : i32 to index
      %swap3A_174 = arith.constant 32 : index
      %swap3A_175 = tpu.vector_load %arg8[%swap3A_173, %swap3A_174] {strides = array<i32>} : memref<256x128xf32, #tpu.memory_space<vmem>>, vector<1x16xf32>,
      %swap3A_176 = vector.shape_cast %swap3A_175 : vector<1x16xf32> to vector<16xf32>
      %swap3A_177 = vector.shape_cast %broadcast_in_dim3A_172 : vector<16xf32> to vector<1x16xf32>
      tpu.vector_store %arg8[%swap3A_173, %swap3A_174], %swap3A_177 {strides = array<i32>} : memref<256x128xf32, #tpu.memory_space<vmem>>, vector<1x16xf32>,
      %broadcast_in_dim3A_178 = arith.constant 0.000000e+00 : f32
      %broadcast_in_dim3A_179 = vector.broadcast %broadcast_in_dim3A_178 : f32 to vector<16xf32>
      %swap3A_180 = arith.index_cast %scan3A_158 : i32 to index
      %swap3A_181 = arith.constant 48 : index
      %swap3A_182 = tpu.vector_load %arg8[%swap3A_180, %swap3A_181] {strides = array<i32>} : memref<256x128xf32, #tpu.memory_space<vmem>>, vector<1x16xf32>,
      %swap3A_183 = vector.shape_cast %swap3A_182 : vector<1x16xf32> to vector<16xf32>
      %swap3A_184 = vector.shape_cast %broadcast_in_dim3A_179 : vector<16xf32> to vector<1x16xf32>
      tpu.vector_store %arg8[%swap3A_180, %swap3A_181], %swap3A_184 {strides = array<i32>} : memref<256x128xf32, #tpu.memory_space<vmem>>, vector<1x16xf32>,
      %broadcast_in_dim3A_185 = arith.constant 0.000000e+00 : f32
      %broadcast_in_dim3A_186 = vector.broadcast %broadcast_in_dim3A_185 : f32 to vector<16xf32>
      %swap3A_187 = arith.index_cast %scan3A_158 : i32 to index
      %swap3A_188 = arith.constant 64 : index
      %swap3A_189 = tpu.vector_load %arg8[%swap3A_187, %swap3A_188] {strides = array<i32>} : memref<256x128xf32, #tpu.memory_space<vmem>>, vector<1x16xf32>,
      %swap3A_190 = vector.shape_cast %swap3A_189 : vector<1x16xf32> to vector<16xf32>
      %swap3A_191 = vector.shape_cast %broadcast_in_dim3A_186 : vector<16xf32> to vector<1x16xf32>
      tpu.vector_store %arg8[%swap3A_187, %swap3A_188], %swap3A_191 {strides = array<i32>} : memref<256x128xf32, #tpu.memory_space<vmem>>, vector<1x16xf32>,
      %broadcast_in_dim3A_192 = arith.constant 0.000000e+00 : f32
      %broadcast_in_dim3A_193 = vector.broadcast %broadcast_in_dim3A_192 : f32 to vector<16xf32>
      %swap3A_194 = arith.index_cast %scan3A_158 : i32 to index
      %swap3A_195 = arith.constant 80 : index
      %swap3A_196 = tpu.vector_load %arg8[%swap3A_194, %swap3A_195] {strides = array<i32>} : memref<256x128xf32, #tpu.memory_space<vmem>>, vector<1x16xf32>,
      %swap3A_197 = vector.shape_cast %swap3A_196 : vector<1x16xf32> to vector<16xf32>
      %swap3A_198 = vector.shape_cast %broadcast_in_dim3A_193 : vector<16xf32> to vector<1x16xf32>
      tpu.vector_store %arg8[%swap3A_194, %swap3A_195], %swap3A_198 {strides = array<i32>} : memref<256x128xf32, #tpu.memory_space<vmem>>, vector<1x16xf32>,
      %broadcast_in_dim3A_199 = arith.constant 0.000000e+00 : f32
      %broadcast_in_dim3A_200 = vector.broadcast %broadcast_in_dim3A_199 : f32 to vector<16xf32>
      %swap3A_201 = arith.index_cast %scan3A_158 : i32 to index
      %swap3A_202 = arith.constant 96 : index
      %swap3A_203 = tpu.vector_load %arg8[%swap3A_201, %swap3A_202] {strides = array<i32>} : memref<256x128xf32, #tpu.memory_space<vmem>>, vector<1x16xf32>,
      %swap3A_204 = vector.shape_cast %swap3A_203 : vector<1x16xf32> to vector<16xf32>
      %swap3A_205 = vector.shape_cast %broadcast_in_dim3A_200 : vector<16xf32> to vector<1x16xf32>
      tpu.vector_store %arg8[%swap3A_201, %swap3A_202], %swap3A_205 {strides = array<i32>} : memref<256x128xf32, #tpu.memory_space<vmem>>, vector<1x16xf32>,
      %broadcast_in_dim3A_206 = arith.constant 0.000000e+00 : f32
      %broadcast_in_dim3A_207 = vector.broadcast %broadcast_in_dim3A_206 : f32 to vector<16xf32>
      %swap3A_208 = arith.index_cast %scan3A_158 : i32 to index
      %swap3A_209 = arith.constant 112 : index
      %swap3A_210 = tpu.vector_load %arg8[%swap3A_208, %swap3A_209] {strides = array<i32>} : memref<256x128xf32, #tpu.memory_space<vmem>>, vector<1x16xf32>,
      %swap3A_211 = vector.shape_cast %swap3A_210 : vector<1x16xf32> to vector<16xf32>
      %swap3A_212 = vector.shape_cast %broadcast_in_dim3A_207 : vector<16xf32> to vector<1x16xf32>
      tpu.vector_store %arg8[%swap3A_208, %swap3A_209], %swap3A_212 {strides = array<i32>} : memref<256x128xf32, #tpu.memory_space<vmem>>, vector<1x16xf32>,
    }
    %scan3A_5 = arith.constant 256 : i32
    %mul3A_6 = arith.constant 640 : i32
    %mul3A_7 = arith.muli %arg1, %mul3A_6 : i32
    %add3A_8 = arith.constant 0 : i32
    %add3A_9 = arith.addi %mul3A_7, %add3A_8 : i32
    "tpu.region"() ({
      %run_scoped3A = tpu.sem_alloc : memref<!tpu.dma_semaphore, #tpu.memory_space<semaphore_mem>>
      %dma_start3A_158 = arith.constant 0 : i32
      %dma_start3A_159 = tpu.memref_slice %arg9[%add3A_9, %dma_start3A_158] : memref<10240x128xf32, #tpu.memory_space<vmem_shared>> -> memref<256x128xf32, #tpu.memory_space<vmem_shared>>
      %dma_start3A_160 = arith.constant 0 : i32
      %dma_start3A_161 = tpu.memref_slice %arg9[%add3A_9, %dma_start3A_160] : memref<10240x128xf32, #tpu.memory_space<vmem_shared>> -> memref<256x128xf32, #tpu.memory_space<vmem_shared>>
      tpu.enqueue_dma source(%arg8 : memref<256x128xf32, #tpu.memory_space<vmem>>) target(%dma_start3A_161 : memref<256x128xf32, #tpu.memory_space<vmem_shared>>) target_semaphore(%run_scoped3A : memref<!tpu.dma_semaphore, #tpu.memory_space<semaphore_mem>>)
      %dma_wait3A_162 = arith.constant 0 : i32
      %dma_wait3A_163 = tpu.memref_slice %arg9[%add3A_9, %dma_wait3A_162] : memref<10240x128xf32, #tpu.memory_space<vmem_shared>> -> memref<256x128xf32, #tpu.memory_space<vmem_shared>>
      %dma_wait3A_164 = arith.constant 0 : i32
      %dma_wait3A_165 = tpu.memref_slice %arg9[%add3A_9, %dma_wait3A_164] : memref<10240x128xf32, #tpu.memory_space<vmem_shared>> -> memref<256x128xf32, #tpu.memory_space<vmem_shared>>
      tpu.wait_dma2 semaphore(%run_scoped3A : memref<!tpu.dma_semaphore, #tpu.memory_space<semaphore_mem>>) src(%arg8 : memref<256x128xf32, #tpu.memory_space<vmem>>) dst(%dma_wait3A_165 : memref<256x128xf32, #tpu.memory_space<vmem_shared>>)
      tpu.yield
    }) : () -> ()
    %mul3A_10 = arith.constant 640 : i32
    %mul3A_11 = arith.muli %arg1, %mul3A_10 : i32
    %add3A_12 = arith.constant 256 : i32
    %add3A_13 = arith.addi %mul3A_11, %add3A_12 : i32
    "tpu.region"() ({
      %run_scoped3A = tpu.sem_alloc : memref<!tpu.dma_semaphore, #tpu.memory_space<semaphore_mem>>
      %dma_start3A_158 = arith.constant 0 : i32
      %dma_start3A_159 = tpu.memref_slice %arg9[%add3A_13, %dma_start3A_158] : memref<10240x128xf32, #tpu.memory_space<vmem_shared>> -> memref<256x128xf32, #tpu.memory_space<vmem_shared>>
      %dma_start3A_160 = arith.constant 0 : i32
      %dma_start3A_161 = tpu.memref_slice %arg9[%add3A_13, %dma_start3A_160] : memref<10240x128xf32, #tpu.memory_space<vmem_shared>> -> memref<256x128xf32, #tpu.memory_space<vmem_shared>>
      tpu.enqueue_dma source(%arg8 : memref<256x128xf32, #tpu.memory_space<vmem>>) target(%dma_start3A_161 : memref<256x128xf32, #tpu.memory_space<vmem_shared>>) target_semaphore(%run_scoped3A : memref<!tpu.dma_semaphore, #tpu.memory_space<semaphore_mem>>)
      %dma_wait3A_162 = arith.constant 0 : i32
      %dma_wait3A_163 = tpu.memref_slice %arg9[%add3A_13, %dma_wait3A_162] : memref<10240x128xf32, #tpu.memory_space<vmem_shared>> -> memref<256x128xf32, #tpu.memory_space<vmem_shared>>
      %dma_wait3A_164 = arith.constant 0 : i32
      %dma_wait3A_165 = tpu.memref_slice %arg9[%add3A_13, %dma_wait3A_164] : memref<10240x128xf32, #tpu.memory_space<vmem_shared>> -> memref<256x128xf32, #tpu.memory_space<vmem_shared>>
      tpu.wait_dma2 semaphore(%run_scoped3A : memref<!tpu.dma_semaphore, #tpu.memory_space<semaphore_mem>>) src(%arg8 : memref<256x128xf32, #tpu.memory_space<vmem>>) dst(%dma_wait3A_165 : memref<256x128xf32, #tpu.memory_space<vmem_shared>>)
      tpu.yield
    }) : () -> ()
    %mul3A_14 = arith.constant 640 : i32
    %mul3A_15 = arith.muli %arg1, %mul3A_14 : i32
    %add3A_16 = arith.constant 512 : i32
    %add3A_17 = arith.addi %mul3A_15, %add3A_16 : i32
    "tpu.region"() ({
      %run_scoped3A = tpu.sem_alloc : memref<!tpu.dma_semaphore, #tpu.memory_space<semaphore_mem>>
      %dma_start3A_158 = arith.constant 0 : i32
      %dma_start3A_159 = arith.constant 0 : i32
      %dma_start3A_160 = tpu.memref_slice %arg8[%dma_start3A_158, %dma_start3A_159] : memref<256x128xf32, #tpu.memory_space<vmem>> -> memref<128x128xf32, #tpu.memory_space<vmem>>
      %dma_start3A_161 = arith.constant 0 : i32
      %dma_start3A_162 = tpu.memref_slice %arg9[%add3A_17, %dma_start3A_161] : memref<10240x128xf32, #tpu.memory_space<vmem_shared>> -> memref<128x128xf32, #tpu.memory_space<vmem_shared>>
      %dma_start3A_163 = arith.constant 0 : i32
      %dma_start3A_164 = tpu.memref_slice %arg9[%add3A_17, %dma_start3A_163] : memref<10240x128xf32, #tpu.memory_space<vmem_shared>> -> memref<128x128xf32, #tpu.memory_space<vmem_shared>>
      %dma_start3A_165 = arith.constant 0 : i32
      %dma_start3A_166 = arith.constant 0 : i32
      %dma_start3A_167 = tpu.memref_slice %arg8[%dma_start3A_165, %dma_start3A_166] : memref<256x128xf32, #tpu.memory_space<vmem>> -> memref<128x128xf32, #tpu.memory_space<vmem>>
      tpu.enqueue_dma source(%dma_start3A_167 : memref<128x128xf32, #tpu.memory_space<vmem>>) target(%dma_start3A_164 : memref<128x128xf32, #tpu.memory_space<vmem_shared>>) target_semaphore(%run_scoped3A : memref<!tpu.dma_semaphore, #tpu.memory_space<semaphore_mem>>)
      %dma_wait3A_168 = arith.constant 0 : i32
      %dma_wait3A_169 = arith.constant 0 : i32
      %dma_wait3A_170 = tpu.memref_slice %arg8[%dma_wait3A_168, %dma_wait3A_169] : memref<256x128xf32, #tpu.memory_space<vmem>> -> memref<128x128xf32, #tpu.memory_space<vmem>>
      %dma_wait3A_171 = arith.constant 0 : i32
      %dma_wait3A_172 = tpu.memref_slice %arg9[%add3A_17, %dma_wait3A_171] : memref<10240x128xf32, #tpu.memory_space<vmem_shared>> -> memref<128x128xf32, #tpu.memory_space<vmem_shared>>
      %dma_wait3A_173 = arith.constant 0 : i32
      %dma_wait3A_174 = tpu.memref_slice %arg9[%add3A_17, %dma_wait3A_173] : memref<10240x128xf32, #tpu.memory_space<vmem_shared>> -> memref<128x128xf32, #tpu.memory_space<vmem_shared>>
      %dma_wait3A_175 = arith.constant 0 : i32
      %dma_wait3A_176 = arith.constant 0 : i32
      %dma_wait3A_177 = tpu.memref_slice %arg8[%dma_wait3A_175, %dma_wait3A_176] : memref<256x128xf32, #tpu.memory_space<vmem>> -> memref<128x128xf32, #tpu.memory_space<vmem>>
      tpu.wait_dma2 semaphore(%run_scoped3A : memref<!tpu.dma_semaphore, #tpu.memory_space<semaphore_mem>>) src(%dma_wait3A_177 : memref<128x128xf32, #tpu.memory_space<vmem>>) dst(%dma_wait3A_174 : memref<128x128xf32, #tpu.memory_space<vmem_shared>>)
      tpu.yield
    }) : () -> ()
    %barrier3A = arith.constant 0 : index
    tpu.barrier barrier_id(%barrier3A)
    %multiple_of3A = arith.constant 0 : i32
    %multiple_of3A_18 = tpu.assume_multiple %multiple_of3A, 8 : i32
    %dma_start3A = arith.constant 0 : i32
    %dma_start3A_19 = arith.constant 0 : i32
    %dma_start3A_20 = tpu.memref_slice %arg6[%multiple_of3A_18, %dma_start3A_19] : memref<16x128xi32, #tpu.memory_space<vmem>> -> memref<1x128xi32, #tpu.memory_space<vmem>>
    %dma_start3A_21 = arith.constant 0 : i32
    %dma_start3A_22 = arith.constant 0 : i32
    %dma_start3A_23 = tpu.memref_slice %arg2[%add3A, %dma_start3A, %dma_start3A_21, %dma_start3A_22] : memref<32x79x1x128xi32, #tpu.memory_space<hbm>> -> memref<1x1x1x128xi32, #tpu.memory_space<hbm>>
    %dma_start3A_24 = tpu.memref_squeeze %dma_start3A_23 : memref<1x1x1x128xi32, #tpu.memory_space<hbm>> -> memref<1x128xi32, #tpu.memory_space<hbm>>
    %dma_start3A_25 = arith.constant 0 : i32
    %dma_start3A_26 = tpu.memref_slice %arg6[%multiple_of3A_18, %dma_start3A_25] : memref<16x128xi32, #tpu.memory_space<vmem>> -> memref<1x128xi32, #tpu.memory_space<vmem>>
    %dma_start3A_27 = arith.constant 0 : i32
    %dma_start3A_28 = arith.constant 0 : i32
    %dma_start3A_29 = tpu.memref_slice %arg2[%add3A, %dma_start3A, %dma_start3A_27, %dma_start3A_28] : memref<32x79x1x128xi32, #tpu.memory_space<hbm>> -> memref<1x1x1x128xi32, #tpu.memory_space<hbm>>
    %dma_start3A_30 = tpu.memref_squeeze %dma_start3A_29 : memref<1x1x1x128xi32, #tpu.memory_space<hbm>> -> memref<1x128xi32, #tpu.memory_space<hbm>>
    tpu.enqueue_dma source(%dma_start3A_30 : memref<1x128xi32, #tpu.memory_space<hbm>>) target(%dma_start3A_26 : memref<1x128xi32, #tpu.memory_space<vmem>>) target_semaphore(%arg11 : memref<!tpu.dma_semaphore, #tpu.memory_space<semaphore_mem>>)
    %dma_start3A_31 = arith.constant 0 : i32
    %dma_start3A_32 = arith.constant 0 : i32
    %dma_start3A_33 = tpu.memref_slice %arg7[%multiple_of3A_18, %dma_start3A_32] : memref<16x128xi32, #tpu.memory_space<vmem>> -> memref<1x128xi32, #tpu.memory_space<vmem>>
    %dma_start3A_34 = arith.constant 0 : i32
    %dma_start3A_35 = arith.constant 0 : i32
    %dma_start3A_36 = tpu.memref_slice %arg3[%add3A, %dma_start3A_31, %dma_start3A_34, %dma_start3A_35] : memref<32x79x1x128xi32, #tpu.memory_space<hbm>> -> memref<1x1x1x128xi32, #tpu.memory_space<hbm>>
    %dma_start3A_37 = tpu.memref_squeeze %dma_start3A_36 : memref<1x1x1x128xi32, #tpu.memory_space<hbm>> -> memref<1x128xi32, #tpu.memory_space<hbm>>
    %dma_start3A_38 = arith.constant 0 : i32
    %dma_start3A_39 = tpu.memref_slice %arg7[%multiple_of3A_18, %dma_start3A_38] : memref<16x128xi32, #tpu.memory_space<vmem>> -> memref<1x128xi32, #tpu.memory_space<vmem>>
    %dma_start3A_40 = arith.constant 0 : i32
    %dma_start3A_41 = arith.constant 0 : i32
    %dma_start3A_42 = tpu.memref_slice %arg3[%add3A, %dma_start3A_31, %dma_start3A_40, %dma_start3A_41] : memref<32x79x1x128xi32, #tpu.memory_space<hbm>> -> memref<1x1x1x128xi32, #tpu.memory_space<hbm>>
    %dma_start3A_43 = tpu.memref_squeeze %dma_start3A_42 : memref<1x1x1x128xi32, #tpu.memory_space<hbm>> -> memref<1x128xi32, #tpu.memory_space<hbm>>
    tpu.enqueue_dma source(%dma_start3A_43 : memref<1x128xi32, #tpu.memory_space<hbm>>) target(%dma_start3A_39 : memref<1x128xi32, #tpu.memory_space<vmem>>) target_semaphore(%arg11 : memref<!tpu.dma_semaphore, #tpu.memory_space<semaphore_mem>>)
    %dma_wait3A = arith.constant 0 : i32
    %dma_wait3A_44 = arith.constant 0 : i32
    %dma_wait3A_45 = tpu.memref_slice %arg6[%multiple_of3A_18, %dma_wait3A_44] : memref<16x128xi32, #tpu.memory_space<vmem>> -> memref<1x128xi32, #tpu.memory_space<vmem>>
    %dma_wait3A_46 = arith.constant 0 : i32
    %dma_wait3A_47 = arith.constant 0 : i32
    %dma_wait3A_48 = tpu.memref_slice %arg2[%add3A, %dma_wait3A, %dma_wait3A_46, %dma_wait3A_47] : memref<32x79x1x128xi32, #tpu.memory_space<hbm>> -> memref<1x1x1x128xi32, #tpu.memory_space<hbm>>
    %dma_wait3A_49 = tpu.memref_squeeze %dma_wait3A_48 : memref<1x1x1x128xi32, #tpu.memory_space<hbm>> -> memref<1x128xi32, #tpu.memory_space<hbm>>
    %dma_wait3A_50 = arith.constant 0 : i32
    %dma_wait3A_51 = tpu.memref_slice %arg6[%multiple_of3A_18, %dma_wait3A_50] : memref<16x128xi32, #tpu.memory_space<vmem>> -> memref<1x128xi32, #tpu.memory_space<vmem>>
    %dma_wait3A_52 = arith.constant 0 : i32
    %dma_wait3A_53 = arith.constant 0 : i32
    %dma_wait3A_54 = tpu.memref_slice %arg2[%add3A, %dma_wait3A, %dma_wait3A_52, %dma_wait3A_53] : memref<32x79x1x128xi32, #tpu.memory_space<hbm>> -> memref<1x1x1x128xi32, #tpu.memory_space<hbm>>
    %dma_wait3A_55 = tpu.memref_squeeze %dma_wait3A_54 : memref<1x1x1x128xi32, #tpu.memory_space<hbm>> -> memref<1x128xi32, #tpu.memory_space<hbm>>
    tpu.wait_dma2 semaphore(%arg11 : memref<!tpu.dma_semaphore, #tpu.memory_space<semaphore_mem>>) src(%dma_wait3A_55 : memref<1x128xi32, #tpu.memory_space<hbm>>) dst(%dma_wait3A_51 : memref<1x128xi32, #tpu.memory_space<vmem>>)
    %dma_wait3A_56 = arith.constant 0 : i32
    %dma_wait3A_57 = arith.constant 0 : i32
    %dma_wait3A_58 = tpu.memref_slice %arg7[%multiple_of3A_18, %dma_wait3A_57] : memref<16x128xi32, #tpu.memory_space<vmem>> -> memref<1x128xi32, #tpu.memory_space<vmem>>
    %dma_wait3A_59 = arith.constant 0 : i32
    %dma_wait3A_60 = arith.constant 0 : i32
    %dma_wait3A_61 = tpu.memref_slice %arg3[%add3A, %dma_wait3A_56, %dma_wait3A_59, %dma_wait3A_60] : memref<32x79x1x128xi32, #tpu.memory_space<hbm>> -> memref<1x1x1x128xi32, #tpu.memory_space<hbm>>
    %dma_wait3A_62 = tpu.memref_squeeze %dma_wait3A_61 : memref<1x1x1x128xi32, #tpu.memory_space<hbm>> -> memref<1x128xi32, #tpu.memory_space<hbm>>
    %dma_wait3A_63 = arith.constant 0 : i32
    %dma_wait3A_64 = tpu.memref_slice %arg7[%multiple_of3A_18, %dma_wait3A_63] : memref<16x128xi32, #tpu.memory_space<vmem>> -> memref<1x128xi32, #tpu.memory_space<vmem>>
    %dma_wait3A_65 = arith.constant 0 : i32
    %dma_wait3A_66 = arith.constant 0 : i32
    %dma_wait3A_67 = tpu.memref_slice %arg3[%add3A, %dma_wait3A_56, %dma_wait3A_65, %dma_wait3A_66] : memref<32x79x1x128xi32, #tpu.memory_space<hbm>> -> memref<1x1x1x128xi32, #tpu.memory_space<hbm>>
    %dma_wait3A_68 = tpu.memref_squeeze %dma_wait3A_67 : memref<1x1x1x128xi32, #tpu.memory_space<hbm>> -> memref<1x128xi32, #tpu.memory_space<hbm>>
    tpu.wait_dma2 semaphore(%arg11 : memref<!tpu.dma_semaphore, #tpu.memory_space<semaphore_mem>>) src(%dma_wait3A_68 : memref<1x128xi32, #tpu.memory_space<hbm>>) dst(%dma_wait3A_64 : memref<1x128xi32, #tpu.memory_space<vmem>>)
    %multiple_of3A_69 = arith.constant 0 : i32
    %multiple_of3A_70 = tpu.assume_multiple %multiple_of3A_69, 8 : i32
    %dma_start3A_71 = arith.constant 0 : i32
    %dma_start3A_72 = arith.constant 0 : i32
    %dma_start3A_73 = tpu.memref_slice %arg8[%multiple_of3A_70, %dma_start3A_72] : memref<256x128xf32, #tpu.memory_space<vmem>> -> memref<128x128xf32, #tpu.memory_space<vmem>>
    %dma_start3A_74 = arith.constant 0 : i32
    %dma_start3A_75 = tpu.memref_slice %arg6[%dma_start3A_71, %dma_start3A_74] : memref<16x128xi32, #tpu.memory_space<vmem>> -> memref<1x128xi32, #tpu.memory_space<vmem>>
    %dma_start3A_76 = tpu.memref_squeeze %dma_start3A_75 : memref<1x128xi32, #tpu.memory_space<vmem>> -> memref<128xi32, #tpu.memory_space<vmem>>
    %dma_start3A_77 = arith.constant 0 : i32
    %dma_start3A_78 = arith.constant 0 : i32
    %dma_start3A_79 = tpu.memref_slice %arg4[%dma_start3A_77, %dma_start3A_78] : memref<10000x128xf32, #tpu.memory_space<hbm>> -> memref<10000x128xf32, #tpu.memory_space<hbm>>
    tpu.enqueue_indirect_dma source(%dma_start3A_79 : memref<10000x128xf32, #tpu.memory_space<hbm>>) target(%dma_start3A_73 : memref<128x128xf32, #tpu.memory_space<vmem>>) offsets(%dma_start3A_76 : memref<128xi32, #tpu.memory_space<vmem>>) semaphore(%arg10 : memref<!tpu.dma_semaphore, #tpu.memory_space<semaphore_mem>>)
    %multiple_of3A_80 = arith.constant 8 : i32
    %multiple_of3A_81 = tpu.assume_multiple %multiple_of3A_80, 8 : i32
    %dma_start3A_82 = arith.constant 1 : i32
    %dma_start3A_83 = arith.constant 0 : i32
    %dma_start3A_84 = tpu.memref_slice %arg6[%multiple_of3A_81, %dma_start3A_83] : memref<16x128xi32, #tpu.memory_space<vmem>> -> memref<1x128xi32, #tpu.memory_space<vmem>>
    %dma_start3A_85 = arith.constant 0 : i32
    %dma_start3A_86 = arith.constant 0 : i32
    %dma_start3A_87 = tpu.memref_slice %arg2[%add3A, %dma_start3A_82, %dma_start3A_85, %dma_start3A_86] : memref<32x79x1x128xi32, #tpu.memory_space<hbm>> -> memref<1x1x1x128xi32, #tpu.memory_space<hbm>>
    %dma_start3A_88 = tpu.memref_squeeze %dma_start3A_87 : memref<1x1x1x128xi32, #tpu.memory_space<hbm>> -> memref<1x128xi32, #tpu.memory_space<hbm>>
    %dma_start3A_89 = arith.constant 0 : i32
    %dma_start3A_90 = tpu.memref_slice %arg6[%multiple_of3A_81, %dma_start3A_89] : memref<16x128xi32, #tpu.memory_space<vmem>> -> memref<1x128xi32, #tpu.memory_space<vmem>>
    %dma_start3A_91 = arith.constant 0 : i32
    %dma_start3A_92 = arith.constant 0 : i32
    %dma_start3A_93 = tpu.memref_slice %arg2[%add3A, %dma_start3A_82, %dma_start3A_91, %dma_start3A_92] : memref<32x79x1x128xi32, #tpu.memory_space<hbm>> -> memref<1x1x1x128xi32, #tpu.memory_space<hbm>>
    %dma_start3A_94 = tpu.memref_squeeze %dma_start3A_93 : memref<1x1x1x128xi32, #tpu.memory_space<hbm>> -> memref<1x128xi32, #tpu.memory_space<hbm>>
    tpu.enqueue_dma source(%dma_start3A_94 : memref<1x128xi32, #tpu.memory_space<hbm>>) target(%dma_start3A_90 : memref<1x128xi32, #tpu.memory_space<vmem>>) target_semaphore(%arg11 : memref<!tpu.dma_semaphore, #tpu.memory_space<semaphore_mem>>)
    %dma_start3A_95 = arith.constant 1 : i32
    %dma_start3A_96 = arith.constant 0 : i32
    %dma_start3A_97 = tpu.memref_slice %arg7[%multiple_of3A_81, %dma_start3A_96] : memref<16x128xi32, #tpu.memory_space<vmem>> -> memref<1x128xi32, #tpu.memory_space<vmem>>
    %dma_start3A_98 = arith.constant 0 : i32
    %dma_start3A_99 = arith.constant 0 : i32
    %dma_start3A_100 = tpu.memref_slice %arg3[%add3A, %dma_start3A_95, %dma_start3A_98, %dma_start3A_99] : memref<32x79x1x128xi32, #tpu.memory_space<hbm>> -> memref<1x1x1x128xi32, #tpu.memory_space<hbm>>
    %dma_start3A_101 = tpu.memref_squeeze %dma_start3A_100 : memref<1x1x1x128xi32, #tpu.memory_space<hbm>> -> memref<1x128xi32, #tpu.memory_space<hbm>>
    %dma_start3A_102 = arith.constant 0 : i32
    %dma_start3A_103 = tpu.memref_slice %arg7[%multiple_of3A_81, %dma_start3A_102] : memref<16x128xi32, #tpu.memory_space<vmem>> -> memref<1x128xi32, #tpu.memory_space<vmem>>
    %dma_start3A_104 = arith.constant 0 : i32
    %dma_start3A_105 = arith.constant 0 : i32
    %dma_start3A_106 = tpu.memref_slice %arg3[%add3A, %dma_start3A_95, %dma_start3A_104, %dma_start3A_105] : memref<32x79x1x128xi32, #tpu.memory_space<hbm>> -> memref<1x1x1x128xi32, #tpu.memory_space<hbm>>
    %dma_start3A_107 = tpu.memref_squeeze %dma_start3A_106 : memref<1x1x1x128xi32, #tpu.memory_space<hbm>> -> memref<1x128xi32, #tpu.memory_space<hbm>>
    tpu.enqueue_dma source(%dma_start3A_107 : memref<1x128xi32, #tpu.memory_space<hbm>>) target(%dma_start3A_103 : memref<1x128xi32, #tpu.memory_space<vmem>>) target_semaphore(%arg11 : memref<!tpu.dma_semaphore, #tpu.memory_space<semaphore_mem>>)
    %scan3A_108 = arith.constant 0 : i32
    %scan3A_109 = arith.constant 0 : i32
    %scan3A_110 = arith.constant 79 : i32
    %scan3A_111 = arith.addi %scan3A_109, %scan3A_110 : i32
    %scan3A_112 = arith.constant 1 : i32
    scf.for %scan3A_158 = %scan3A_109 to %scan3A_111 step %scan3A_112  : i32 {
      %jit3A = arith.constant 2 : i32
      %eq3A = arith.constant 0 : i32
      %eq3A_159 = arith.cmpi eq, %jit3A, %eq3A : i32
      %jit3A_160 = arith.constant 1 : i32
      %select_n3A = arith.select %eq3A_159, %jit3A_160, %jit3A : i32
      %rem3A = arith.remsi %scan3A_158, %select_n3A : i32
      %ne3A = arith.constant 0 : i32
      %ne3A_161 = arith.cmpi ne, %rem3A, %ne3A : i32
      %lt3A = arith.constant 0 : i32
      %lt3A_162 = arith.cmpi slt, %rem3A, %lt3A : i32
      %lt3A_163 = arith.constant 0 : i32
      %lt3A_164 = arith.cmpi slt, %select_n3A, %lt3A_163 : i32
      %ne3A_165 = arith.xori %lt3A_162, %lt3A_164 : i1
      %and3A = arith.andi %ne3A_165, %ne3A_161 : i1
      %add3A_166 = arith.addi %rem3A, %select_n3A : i32
      %select_n3A_167 = arith.select %and3A, %add3A_166, %rem3A : i32
      %sub3A = arith.constant 1 : i32
      %sub3A_168 = arith.subi %sub3A, %select_n3A_167 : i32
      %mul3A_169 = arith.constant 128 : i32
      %mul3A_170 = arith.muli %select_n3A_167, %mul3A_169 : i32
      %multiple_of3A_171 = tpu.assume_multiple %mul3A_170, 8 : i32
      %mul3A_172 = arith.constant 8 : i32
      %mul3A_173 = arith.muli %select_n3A_167, %mul3A_172 : i32
      %dma_wait3A_174 = arith.constant 0 : i32
      %dma_wait3A_175 = tpu.memref_slice %arg8[%multiple_of3A_171, %dma_wait3A_174] : memref<256x128xf32, #tpu.memory_space<vmem>> -> memref<128x128xf32, #tpu.memory_space<vmem>>
      %dma_wait3A_176 = arith.constant 0 : i32
      %dma_wait3A_177 = tpu.memref_slice %arg6[%mul3A_173, %dma_wait3A_176] : memref<16x128xi32, #tpu.memory_space<vmem>> -> memref<1x128xi32, #tpu.memory_space<vmem>>
      %dma_wait3A_178 = tpu.memref_squeeze %dma_wait3A_177 : memref<1x128xi32, #tpu.memory_space<vmem>> -> memref<128xi32, #tpu.memory_space<vmem>>
      %dma_wait3A_179 = arith.constant 0 : i32
      %dma_wait3A_180 = arith.constant 0 : i32
      %dma_wait3A_181 = tpu.memref_slice %arg4[%dma_wait3A_179, %dma_wait3A_180] : memref<10000x128xf32, #tpu.memory_space<hbm>> -> memref<10000x128xf32, #tpu.memory_space<hbm>>
      tpu.wait_indirect_dma semaphore(%arg10 : memref<!tpu.dma_semaphore, #tpu.memory_space<semaphore_mem>>) src(%dma_wait3A_181 : memref<10000x128xf32, #tpu.memory_space<hbm>>) dst(%dma_wait3A_175 : memref<128x128xf32, #tpu.memory_space<vmem>>)
      %add3A_182 = arith.constant 1 : i32
      %add3A_183 = arith.addi %scan3A_158, %add3A_182 : i32
      %min3A = arith.constant 78 : i32
      %min3A_184 = arith.minsi %add3A_183, %min3A : i32
      %mul3A_185 = arith.constant 8 : i32
      %mul3A_186 = arith.muli %sub3A_168, %mul3A_185 : i32
      %multiple_of3A_187 = tpu.assume_multiple %mul3A_186, 8 : i32
      %dma_wait3A_188 = arith.constant 0 : i32
      %dma_wait3A_189 = tpu.memref_slice %arg6[%multiple_of3A_187, %dma_wait3A_188] : memref<16x128xi32, #tpu.memory_space<vmem>> -> memref<1x128xi32, #tpu.memory_space<vmem>>
      %dma_wait3A_190 = arith.constant 0 : i32
      %dma_wait3A_191 = arith.constant 0 : i32
      %dma_wait3A_192 = tpu.memref_slice %arg2[%add3A, %min3A_184, %dma_wait3A_190, %dma_wait3A_191] : memref<32x79x1x128xi32, #tpu.memory_space<hbm>> -> memref<1x1x1x128xi32, #tpu.memory_space<hbm>>
      %dma_wait3A_193 = tpu.memref_squeeze %dma_wait3A_192 : memref<1x1x1x128xi32, #tpu.memory_space<hbm>> -> memref<1x128xi32, #tpu.memory_space<hbm>>
      %dma_wait3A_194 = arith.constant 0 : i32
      %dma_wait3A_195 = tpu.memref_slice %arg6[%multiple_of3A_187, %dma_wait3A_194] : memref<16x128xi32, #tpu.memory_space<vmem>> -> memref<1x128xi32, #tpu.memory_space<vmem>>
      %dma_wait3A_196 = arith.constant 0 : i32
      %dma_wait3A_197 = arith.constant 0 : i32
      %dma_wait3A_198 = tpu.memref_slice %arg2[%add3A, %min3A_184, %dma_wait3A_196, %dma_wait3A_197] : memref<32x79x1x128xi32, #tpu.memory_space<hbm>> -> memref<1x1x1x128xi32, #tpu.memory_space<hbm>>
      %dma_wait3A_199 = tpu.memref_squeeze %dma_wait3A_198 : memref<1x1x1x128xi32, #tpu.memory_space<hbm>> -> memref<1x128xi32, #tpu.memory_space<hbm>>
      tpu.wait_dma2 semaphore(%arg11 : memref<!tpu.dma_semaphore, #tpu.memory_space<semaphore_mem>>) src(%dma_wait3A_199 : memref<1x128xi32, #tpu.memory_space<hbm>>) dst(%dma_wait3A_195 : memref<1x128xi32, #tpu.memory_space<vmem>>)
      %dma_wait3A_200 = arith.constant 0 : i32
      %dma_wait3A_201 = tpu.memref_slice %arg7[%multiple_of3A_187, %dma_wait3A_200] : memref<16x128xi32, #tpu.memory_space<vmem>> -> memref<1x128xi32, #tpu.memory_space<vmem>>
      %dma_wait3A_202 = arith.constant 0 : i32
      %dma_wait3A_203 = arith.constant 0 : i32
      %dma_wait3A_204 = tpu.memref_slice %arg3[%add3A, %min3A_184, %dma_wait3A_202, %dma_wait3A_203] : memref<32x79x1x128xi32, #tpu.memory_space<hbm>> -> memref<1x1x1x128xi32, #tpu.memory_space<hbm>>
      %dma_wait3A_205 = tpu.memref_squeeze %dma_wait3A_204 : memref<1x1x1x128xi32, #tpu.memory_space<hbm>> -> memref<1x128xi32, #tpu.memory_space<hbm>>
      %dma_wait3A_206 = arith.constant 0 : i32
      %dma_wait3A_207 = tpu.memref_slice %arg7[%multiple_of3A_187, %dma_wait3A_206] : memref<16x128xi32, #tpu.memory_space<vmem>> -> memref<1x128xi32, #tpu.memory_space<vmem>>
      %dma_wait3A_208 = arith.constant 0 : i32
      %dma_wait3A_209 = arith.constant 0 : i32
      %dma_wait3A_210 = tpu.memref_slice %arg3[%add3A, %min3A_184, %dma_wait3A_208, %dma_wait3A_209] : memref<32x79x1x128xi32, #tpu.memory_space<hbm>> -> memref<1x1x1x128xi32, #tpu.memory_space<hbm>>
      %dma_wait3A_211 = tpu.memref_squeeze %dma_wait3A_210 : memref<1x1x1x128xi32, #tpu.memory_space<hbm>> -> memref<1x128xi32, #tpu.memory_space<hbm>>
      tpu.wait_dma2 semaphore(%arg11 : memref<!tpu.dma_semaphore, #tpu.memory_space<semaphore_mem>>) src(%dma_wait3A_211 : memref<1x128xi32, #tpu.memory_space<hbm>>) dst(%dma_wait3A_207 : memref<1x128xi32, #tpu.memory_space<vmem>>)
      %mul3A_212 = arith.constant 128 : i32
      %mul3A_213 = arith.muli %sub3A_168, %mul3A_212 : i32
      %multiple_of3A_214 = tpu.assume_multiple %mul3A_213, 8 : i32
      %mul3A_215 = arith.constant 8 : i32
      %mul3A_216 = arith.muli %sub3A_168, %mul3A_215 : i32
      %dma_start3A_217 = arith.constant 0 : i32
      %dma_start3A_218 = tpu.memref_slice %arg8[%multiple_of3A_214, %dma_start3A_217] : memref<256x128xf32, #tpu.memory_space<vmem>> -> memref<128x128xf32, #tpu.memory_space<vmem>>
      %dma_start3A_219 = arith.constant 0 : i32
      %dma_start3A_220 = tpu.memref_slice %arg6[%mul3A_216, %dma_start3A_219] : memref<16x128xi32, #tpu.memory_space<vmem>> -> memref<1x128xi32, #tpu.memory_space<vmem>>
      %dma_start3A_221 = tpu.memref_squeeze %dma_start3A_220 : memref<1x128xi32, #tpu.memory_space<vmem>> -> memref<128xi32, #tpu.memory_space<vmem>>
      %dma_start3A_222 = arith.constant 0 : i32
      %dma_start3A_223 = arith.constant 0 : i32
      %dma_start3A_224 = tpu.memref_slice %arg4[%dma_start3A_222, %dma_start3A_223] : memref<10000x128xf32, #tpu.memory_space<hbm>> -> memref<10000x128xf32, #tpu.memory_space<hbm>>
      tpu.enqueue_indirect_dma source(%dma_start3A_224 : memref<10000x128xf32, #tpu.memory_space<hbm>>) target(%dma_start3A_218 : memref<128x128xf32, #tpu.memory_space<vmem>>) offsets(%dma_start3A_221 : memref<128xi32, #tpu.memory_space<vmem>>) semaphore(%arg10 : memref<!tpu.dma_semaphore, #tpu.memory_space<semaphore_mem>>)
      %mul3A_225 = arith.constant 128 : i32
      %mul3A_226 = arith.muli %select_n3A_167, %mul3A_225 : i32
      %multiple_of3A_227 = tpu.assume_multiple %mul3A_226, 8 : i32
      %mul3A_228 = arith.constant 8 : i32
      %mul3A_229 = arith.muli %select_n3A_167, %mul3A_228 : i32
      "tpu.region"() ({
        %run_scoped3A = tpu.sem_alloc : memref<!tpu.dma_semaphore, #tpu.memory_space<semaphore_mem>>
        %dma_start3A_261 = arith.constant 0 : i32
        %dma_start3A_262 = tpu.memref_slice %arg8[%multiple_of3A_227, %dma_start3A_261] : memref<256x128xf32, #tpu.memory_space<vmem>> -> memref<128x128xf32, #tpu.memory_space<vmem>>
        %dma_start3A_263 = arith.constant 0 : i32
        %dma_start3A_264 = tpu.memref_slice %arg7[%mul3A_229, %dma_start3A_263] : memref<16x128xi32, #tpu.memory_space<vmem>> -> memref<1x128xi32, #tpu.memory_space<vmem>>
        %dma_start3A_265 = tpu.memref_squeeze %dma_start3A_264 : memref<1x128xi32, #tpu.memory_space<vmem>> -> memref<128xi32, #tpu.memory_space<vmem>>
        %dma_start3A_266 = arith.constant 0 : i32
        %dma_start3A_267 = arith.constant 0 : i32
        %dma_start3A_268 = tpu.memref_slice %arg9[%dma_start3A_266, %dma_start3A_267] : memref<10240x128xf32, #tpu.memory_space<vmem_shared>> -> memref<10240x128xf32, #tpu.memory_space<vmem_shared>>
        tpu.enqueue_indirect_dma source(%dma_start3A_262 : memref<128x128xf32, #tpu.memory_space<vmem>>) target(%dma_start3A_268 : memref<10240x128xf32, #tpu.memory_space<vmem_shared>>) offsets(%dma_start3A_265 : memref<128xi32, #tpu.memory_space<vmem>>) semaphore(%run_scoped3A : memref<!tpu.dma_semaphore, #tpu.memory_space<semaphore_mem>>) {add = true}
        %dma_wait3A_269 = arith.constant 0 : i32
        %dma_wait3A_270 = tpu.memref_slice %arg8[%multiple_of3A_227, %dma_wait3A_269] : memref<256x128xf32, #tpu.memory_space<vmem>> -> memref<128x128xf32, #tpu.memory_space<vmem>>
        %dma_wait3A_271 = arith.constant 0 : i32
        %dma_wait3A_272 = tpu.memref_slice %arg7[%mul3A_229, %dma_wait3A_271] : memref<16x128xi32, #tpu.memory_space<vmem>> -> memref<1x128xi32, #tpu.memory_space<vmem>>
        %dma_wait3A_273 = tpu.memref_squeeze %dma_wait3A_272 : memref<1x128xi32, #tpu.memory_space<vmem>> -> memref<128xi32, #tpu.memory_space<vmem>>
        %dma_wait3A_274 = arith.constant 0 : i32
        %dma_wait3A_275 = arith.constant 0 : i32
        %dma_wait3A_276 = tpu.memref_slice %arg9[%dma_wait3A_274, %dma_wait3A_275] : memref<10240x128xf32, #tpu.memory_space<vmem_shared>> -> memref<10240x128xf32, #tpu.memory_space<vmem_shared>>
        tpu.wait_indirect_dma semaphore(%run_scoped3A : memref<!tpu.dma_semaphore, #tpu.memory_space<semaphore_mem>>) src(%dma_wait3A_270 : memref<128x128xf32, #tpu.memory_space<vmem>>) dst(%dma_wait3A_276 : memref<10240x128xf32, #tpu.memory_space<vmem_shared>>)
        tpu.yield
      }) : () -> ()
      %add3A_230 = arith.constant 2 : i32
      %add3A_231 = arith.addi %scan3A_158, %add3A_230 : i32
      %min3A_232 = arith.constant 78 : i32
      %min3A_233 = arith.minsi %add3A_231, %min3A_232 : i32
      %mul3A_234 = arith.constant 8 : i32
      %mul3A_235 = arith.muli %select_n3A_167, %mul3A_234 : i32
      %multiple_of3A_236 = tpu.assume_multiple %mul3A_235, 8 : i32
      %dma_start3A_237 = arith.constant 0 : i32
      %dma_start3A_238 = tpu.memref_slice %arg6[%multiple_of3A_236, %dma_start3A_237] : memref<16x128xi32, #tpu.memory_space<vmem>> -> memref<1x128xi32, #tpu.memory_space<vmem>>
      %dma_start3A_239 = arith.constant 0 : i32
      %dma_start3A_240 = arith.constant 0 : i32
      %dma_start3A_241 = tpu.memref_slice %arg2[%add3A, %min3A_233, %dma_start3A_239, %dma_start3A_240] : memref<32x79x1x128xi32, #tpu.memory_space<hbm>> -> memref<1x1x1x128xi32, #tpu.memory_space<hbm>>
      %dma_start3A_242 = tpu.memref_squeeze %dma_start3A_241 : memref<1x1x1x128xi32, #tpu.memory_space<hbm>> -> memref<1x128xi32, #tpu.memory_space<hbm>>
      %dma_start3A_243 = arith.constant 0 : i32
      %dma_start3A_244 = tpu.memref_slice %arg6[%multiple_of3A_236, %dma_start3A_243] : memref<16x128xi32, #tpu.memory_space<vmem>> -> memref<1x128xi32, #tpu.memory_space<vmem>>
      %dma_start3A_245 = arith.constant 0 : i32
      %dma_start3A_246 = arith.constant 0 : i32
      %dma_start3A_247 = tpu.memref_slice %arg2[%add3A, %min3A_233, %dma_start3A_245, %dma_start3A_246] : memref<32x79x1x128xi32, #tpu.memory_space<hbm>> -> memref<1x1x1x128xi32, #tpu.memory_space<hbm>>
      %dma_start3A_248 = tpu.memref_squeeze %dma_start3A_247 : memref<1x1x1x128xi32, #tpu.memory_space<hbm>> -> memref<1x128xi32, #tpu.memory_space<hbm>>
      tpu.enqueue_dma source(%dma_start3A_248 : memref<1x128xi32, #tpu.memory_space<hbm>>) target(%dma_start3A_244 : memref<1x128xi32, #tpu.memory_space<vmem>>) target_semaphore(%arg11 : memref<!tpu.dma_semaphore, #tpu.memory_space<semaphore_mem>>)
      %dma_start3A_249 = arith.constant 0 : i32
      %dma_start3A_250 = tpu.memref_slice %arg7[%multiple_of3A_236, %dma_start3A_249] : memref<16x128xi32, #tpu.memory_space<vmem>> -> memref<1x128xi32, #tpu.memory_space<vmem>>
      %dma_start3A_251 = arith.constant 0 : i32
      %dma_start3A_252 = arith.constant 0 : i32
      %dma_start3A_253 = tpu.memref_slice %arg3[%add3A, %min3A_233, %dma_start3A_251, %dma_start3A_252] : memref<32x79x1x128xi32, #tpu.memory_space<hbm>> -> memref<1x1x1x128xi32, #tpu.memory_space<hbm>>
      %dma_start3A_254 = tpu.memref_squeeze %dma_start3A_253 : memref<1x1x1x128xi32, #tpu.memory_space<hbm>> -> memref<1x128xi32, #tpu.memory_space<hbm>>
      %dma_start3A_255 = arith.constant 0 : i32
      %dma_start3A_256 = tpu.memref_slice %arg7[%multiple_of3A_236, %dma_start3A_255] : memref<16x128xi32, #tpu.memory_space<vmem>> -> memref<1x128xi32, #tpu.memory_space<vmem>>
      %dma_start3A_257 = arith.constant 0 : i32
      %dma_start3A_258 = arith.constant 0 : i32
      %dma_start3A_259 = tpu.memref_slice %arg3[%add3A, %min3A_233, %dma_start3A_257, %dma_start3A_258] : memref<32x79x1x128xi32, #tpu.memory_space<hbm>> -> memref<1x1x1x128xi32, #tpu.memory_space<hbm>>
      %dma_start3A_260 = tpu.memref_squeeze %dma_start3A_259 : memref<1x1x1x128xi32, #tpu.memory_space<hbm>> -> memref<1x128xi32, #tpu.memory_space<hbm>>
      tpu.enqueue_dma source(%dma_start3A_260 : memref<1x128xi32, #tpu.memory_space<hbm>>) target(%dma_start3A_256 : memref<1x128xi32, #tpu.memory_space<vmem>>) target_semaphore(%arg11 : memref<!tpu.dma_semaphore, #tpu.memory_space<semaphore_mem>>)
    }
    %scan3A_113 = arith.constant 79 : i32
    %multiple_of3A_114 = arith.constant 128 : i32
    %multiple_of3A_115 = tpu.assume_multiple %multiple_of3A_114, 8 : i32
    %dma_wait3A_116 = arith.constant 8 : i32
    %dma_wait3A_117 = arith.constant 0 : i32
    %dma_wait3A_118 = tpu.memref_slice %arg8[%multiple_of3A_115, %dma_wait3A_117] : memref<256x128xf32, #tpu.memory_space<vmem>> -> memref<128x128xf32, #tpu.memory_space<vmem>>
    %dma_wait3A_119 = arith.constant 0 : i32
    %dma_wait3A_120 = tpu.memref_slice %arg6[%dma_wait3A_116, %dma_wait3A_119] : memref<16x128xi32, #tpu.memory_space<vmem>> -> memref<1x128xi32, #tpu.memory_space<vmem>>
    %dma_wait3A_121 = tpu.memref_squeeze %dma_wait3A_120 : memref<1x128xi32, #tpu.memory_space<vmem>> -> memref<128xi32, #tpu.memory_space<vmem>>
    %dma_wait3A_122 = arith.constant 0 : i32
    %dma_wait3A_123 = arith.constant 0 : i32
    %dma_wait3A_124 = tpu.memref_slice %arg4[%dma_wait3A_122, %dma_wait3A_123] : memref<10000x128xf32, #tpu.memory_space<hbm>> -> memref<10000x128xf32, #tpu.memory_space<hbm>>
    tpu.wait_indirect_dma semaphore(%arg10 : memref<!tpu.dma_semaphore, #tpu.memory_space<semaphore_mem>>) src(%dma_wait3A_124 : memref<10000x128xf32, #tpu.memory_space<hbm>>) dst(%dma_wait3A_118 : memref<128x128xf32, #tpu.memory_space<vmem>>)
    %multiple_of3A_125 = arith.constant 0 : i32
    %multiple_of3A_126 = tpu.assume_multiple %multiple_of3A_125, 8 : i32
    %dma_wait3A_127 = arith.constant 78 : i32
    %dma_wait3A_128 = arith.constant 0 : i32
    %dma_wait3A_129 = tpu.memref_slice %arg6[%multiple_of3A_126, %dma_wait3A_128] : memref<16x128xi32, #tpu.memory_space<vmem>> -> memref<1x128xi32, #tpu.memory_space<vmem>>
    %dma_wait3A_130 = arith.constant 0 : i32
    %dma_wait3A_131 = arith.constant 0 : i32
    %dma_wait3A_132 = tpu.memref_slice %arg2[%add3A, %dma_wait3A_127, %dma_wait3A_130, %dma_wait3A_131] : memref<32x79x1x128xi32, #tpu.memory_space<hbm>> -> memref<1x1x1x128xi32, #tpu.memory_space<hbm>>
    %dma_wait3A_133 = tpu.memref_squeeze %dma_wait3A_132 : memref<1x1x1x128xi32, #tpu.memory_space<hbm>> -> memref<1x128xi32, #tpu.memory_space<hbm>>
    %dma_wait3A_134 = arith.constant 0 : i32
    %dma_wait3A_135 = tpu.memref_slice %arg6[%multiple_of3A_126, %dma_wait3A_134] : memref<16x128xi32, #tpu.memory_space<vmem>> -> memref<1x128xi32, #tpu.memory_space<vmem>>
    %dma_wait3A_136 = arith.constant 0 : i32
    %dma_wait3A_137 = arith.constant 0 : i32
    %dma_wait3A_138 = tpu.memref_slice %arg2[%add3A, %dma_wait3A_127, %dma_wait3A_136, %dma_wait3A_137] : memref<32x79x1x128xi32, #tpu.memory_space<hbm>> -> memref<1x1x1x128xi32, #tpu.memory_space<hbm>>
    %dma_wait3A_139 = tpu.memref_squeeze %dma_wait3A_138 : memref<1x1x1x128xi32, #tpu.memory_space<hbm>> -> memref<1x128xi32, #tpu.memory_space<hbm>>
    tpu.wait_dma2 semaphore(%arg11 : memref<!tpu.dma_semaphore, #tpu.memory_space<semaphore_mem>>) src(%dma_wait3A_139 : memref<1x128xi32, #tpu.memory_space<hbm>>) dst(%dma_wait3A_135 : memref<1x128xi32, #tpu.memory_space<vmem>>)
    %dma_wait3A_140 = arith.constant 78 : i32
    %dma_wait3A_141 = arith.constant 0 : i32
    %dma_wait3A_142 = tpu.memref_slice %arg7[%multiple_of3A_126, %dma_wait3A_141] : memref<16x128xi32, #tpu.memory_space<vmem>> -> memref<1x128xi32, #tpu.memory_space<vmem>>
    %dma_wait3A_143 = arith.constant 0 : i32
    %dma_wait3A_144 = arith.constant 0 : i32
    %dma_wait3A_145 = tpu.memref_slice %arg3[%add3A, %dma_wait3A_140, %dma_wait3A_143, %dma_wait3A_144] : memref<32x79x1x128xi32, #tpu.memory_space<hbm>> -> memref<1x1x1x128xi32, #tpu.memory_space<hbm>>
    %dma_wait3A_146 = tpu.memref_squeeze %dma_wait3A_145 : memref<1x1x1x128xi32, #tpu.memory_space<hbm>> -> memref<1x128xi32, #tpu.memory_space<hbm>>
    %dma_wait3A_147 = arith.constant 0 : i32
    %dma_wait3A_148 = tpu.memref_slice %arg7[%multiple_of3A_126, %dma_wait3A_147] : memref<16x128xi32, #tpu.memory_space<vmem>> -> memref<1x128xi32, #tpu.memory_space<vmem>>
    %dma_wait3A_149 = arith.constant 0 : i32
    %dma_wait3A_150 = arith.constant 0 : i32
    %dma_wait3A_151 = tpu.memref_slice %arg3[%add3A, %dma_wait3A_140, %dma_wait3A_149, %dma_wait3A_150] : memref<32x79x1x128xi32, #tpu.memory_space<hbm>> -> memref<1x1x1x128xi32, #tpu.memory_space<hbm>>
    %dma_wait3A_152 = tpu.memref_squeeze %dma_wait3A_151 : memref<1x1x1x128xi32, #tpu.memory_space<hbm>> -> memref<1x128xi32, #tpu.memory_space<hbm>>
    tpu.wait_dma2 semaphore(%arg11 : memref<!tpu.dma_semaphore, #tpu.memory_space<semaphore_mem>>) src(%dma_wait3A_152 : memref<1x128xi32, #tpu.memory_space<hbm>>) dst(%dma_wait3A_148 : memref<1x128xi32, #tpu.memory_space<vmem>>)
    %barrier3A_153 = arith.constant 0 : index
    tpu.barrier barrier_id(%barrier3A_153)
    %mul3A_154 = arith.constant 640 : i32
    %mul3A_155 = arith.muli %arg1, %mul3A_154 : i32
    %mul3A_156 = arith.constant 640 : i32
    %mul3A_157 = arith.muli %arg1, %mul3A_156 : i32
    "tpu.region"() ({
      %run_scoped3A = tpu.sem_alloc : memref<!tpu.dma_semaphore, #tpu.memory_space<semaphore_mem>>
      %dma_start3A_158 = arith.constant 0 : i32
      %dma_start3A_159 = tpu.memref_slice %arg5[%arg0, %mul3A_157, %dma_start3A_158] : memref<2x10240x128xf32, #tpu.memory_space<hbm>> -> memref<1x640x128xf32, #tpu.memory_space<hbm>>
      %dma_start3A_160 = tpu.memref_squeeze %dma_start3A_159 : memref<1x640x128xf32, #tpu.memory_space<hbm>> -> memref<640x128xf32, #tpu.memory_space<hbm>>
      %dma_start3A_161 = arith.constant 0 : i32
      %dma_start3A_162 = tpu.memref_slice %arg9[%mul3A_155, %dma_start3A_161] : memref<10240x128xf32, #tpu.memory_space<vmem_shared>> -> memref<640x128xf32, #tpu.memory_space<vmem_shared>>
      tpu.enqueue_dma source(%dma_start3A_162 : memref<640x128xf32, #tpu.memory_space<vmem_shared>>) target(%dma_start3A_160 : memref<640x128xf32, #tpu.memory_space<hbm>>) target_semaphore(%run_scoped3A : memref<!tpu.dma_semaphore, #tpu.memory_space<semaphore_mem>>)
      %dma_wait3A_163 = arith.constant 0 : i32
      %dma_wait3A_164 = tpu.memref_slice %arg5[%arg0, %mul3A_157, %dma_wait3A_163] : memref<2x10240x128xf32, #tpu.memory_space<hbm>> -> memref<1x640x128xf32, #tpu.memory_space<hbm>>
      %dma_wait3A_165 = tpu.memref_squeeze %dma_wait3A_164 : memref<1x640x128xf32, #tpu.memory_space<hbm>> -> memref<640x128xf32, #tpu.memory_space<hbm>>
      %dma_wait3A_166 = arith.constant 0 : i32
      %dma_wait3A_167 = tpu.memref_slice %arg9[%mul3A_155, %dma_wait3A_166] : memref<10240x128xf32, #tpu.memory_space<vmem_shared>> -> memref<640x128xf32, #tpu.memory_space<vmem_shared>>
      tpu.wait_dma2 semaphore(%run_scoped3A : memref<!tpu.dma_semaphore, #tpu.memory_space<semaphore_mem>>) src(%dma_wait3A_167 : memref<640x128xf32, #tpu.memory_space<vmem_shared>>) dst(%dma_wait3A_165 : memref<640x128xf32, #tpu.memory_space<hbm>>)
      tpu.yield
    }) : () -> ()
    return
  }
}

#map = affine_map<(d0, d1) -> (0, 0)>
module attributes {stable_mosaic.version = 14 : i64} {
  func.func @_sc_deg(%arg0: i32, %arg1: i32, %arg2: memref<32x10000xi32, #tpu.memory_space<hbm>>, %arg3: memref<32x10000xf32, #tpu.memory_space<hbm>>, %arg4: memref<10000xi32, #tpu.memory_space<vmem>>, %arg5: memref<10000xf32, #tpu.memory_space<vmem>>) attributes {dimension_semantics = [#tpu.dimension_semantics<core_parallel>, #tpu.dimension_semantics<subcore_parallel>], iteration_bounds = array<i64: 2, 16>, scalar_prefetch = 0 : i64, scratch_operands = 2 : i64, tpu.core_type = #tpu.core_type<sc_vector_subcore>, window_params = [{transform_indices = #map}, {transform_indices = #map}]} {
    %mul3A = arith.constant 2 : i32
    %mul3A_0 = arith.muli %arg1, %mul3A : i32
    %add3A = arith.addi %mul3A_0, %arg0 : i32
    %scan3A = arith.constant 0 : i32
    %scan3A_1 = arith.constant 0 : i32
    %scan3A_2 = arith.constant 625 : i32
    %scan3A_3 = arith.addi %scan3A_1, %scan3A_2 : i32
    %scan3A_4 = arith.constant 1 : i32
    scf.for %scan3A_13 = %scan3A_1 to %scan3A_3 step %scan3A_4  : i32 {
      %broadcast_in_dim3A_14 = arith.constant 0.000000e+00 : f32
      %broadcast_in_dim3A_15 = vector.broadcast %broadcast_in_dim3A_14 : f32 to vector<16xf32>
      %mul3A_16 = arith.constant 16 : i32
      %mul3A_17 = arith.muli %scan3A_13, %mul3A_16 : i32
      %swap3A = arith.index_cast %mul3A_17 : i32 to index
      %swap3A_18 = tpu.vector_load %arg5[%swap3A] {strides = array<i32>} : memref<10000xf32, #tpu.memory_space<vmem>>, vector<16xf32>,
      tpu.vector_store %arg5[%swap3A], %broadcast_in_dim3A_15 {strides = array<i32>} : memref<10000xf32, #tpu.memory_space<vmem>>, vector<16xf32>,
    }
    %scan3A_5 = arith.constant 625 : i32
    "tpu.region"() ({
      %run_scoped3A = tpu.sem_alloc : memref<!tpu.dma_semaphore, #tpu.memory_space<semaphore_mem>>
      %dma_start3A = arith.constant 0 : i32
      %dma_start3A_13 = tpu.memref_slice %arg2[%add3A, %dma_start3A] : memref<32x10000xi32, #tpu.memory_space<hbm>> -> memref<1x10000xi32, #tpu.memory_space<hbm>>
      %dma_start3A_14 = tpu.memref_squeeze %dma_start3A_13 : memref<1x10000xi32, #tpu.memory_space<hbm>> -> memref<10000xi32, #tpu.memory_space<hbm>>
      %dma_start3A_15 = arith.constant 0 : i32
      %dma_start3A_16 = tpu.memref_slice %arg2[%add3A, %dma_start3A_15] : memref<32x10000xi32, #tpu.memory_space<hbm>> -> memref<1x10000xi32, #tpu.memory_space<hbm>>
      %dma_start3A_17 = tpu.memref_squeeze %dma_start3A_16 : memref<1x10000xi32, #tpu.memory_space<hbm>> -> memref<10000xi32, #tpu.memory_space<hbm>>
      tpu.enqueue_dma source(%dma_start3A_17 : memref<10000xi32, #tpu.memory_space<hbm>>) target(%arg4 : memref<10000xi32, #tpu.memory_space<vmem>>) target_semaphore(%run_scoped3A : memref<!tpu.dma_semaphore, #tpu.memory_space<semaphore_mem>>)
      %dma_wait3A = arith.constant 0 : i32
      %dma_wait3A_18 = tpu.memref_slice %arg2[%add3A, %dma_wait3A] : memref<32x10000xi32, #tpu.memory_space<hbm>> -> memref<1x10000xi32, #tpu.memory_space<hbm>>
      %dma_wait3A_19 = tpu.memref_squeeze %dma_wait3A_18 : memref<1x10000xi32, #tpu.memory_space<hbm>> -> memref<10000xi32, #tpu.memory_space<hbm>>
      %dma_wait3A_20 = arith.constant 0 : i32
      %dma_wait3A_21 = tpu.memref_slice %arg2[%add3A, %dma_wait3A_20] : memref<32x10000xi32, #tpu.memory_space<hbm>> -> memref<1x10000xi32, #tpu.memory_space<hbm>>
      %dma_wait3A_22 = tpu.memref_squeeze %dma_wait3A_21 : memref<1x10000xi32, #tpu.memory_space<hbm>> -> memref<10000xi32, #tpu.memory_space<hbm>>
      tpu.wait_dma2 semaphore(%run_scoped3A : memref<!tpu.dma_semaphore, #tpu.memory_space<semaphore_mem>>) src(%dma_wait3A_22 : memref<10000xi32, #tpu.memory_space<hbm>>) dst(%arg4 : memref<10000xi32, #tpu.memory_space<vmem>>)
      tpu.yield
    }) : () -> ()
    %broadcast_in_dim3A = arith.constant 1.000000e+00 : f32
    %broadcast_in_dim3A_6 = vector.broadcast %broadcast_in_dim3A : f32 to vector<16xf32>
    %scan3A_7 = arith.constant 0 : i32
    %scan3A_8 = arith.constant 0 : i32
    %scan3A_9 = arith.constant 625 : i32
    %scan3A_10 = arith.addi %scan3A_8, %scan3A_9 : i32
    %scan3A_11 = arith.constant 1 : i32
    scf.for %scan3A_13 = %scan3A_8 to %scan3A_10 step %scan3A_11  : i32 {
      %mul3A_14 = arith.constant 16 : i32
      %mul3A_15 = arith.muli %scan3A_13, %mul3A_14 : i32
      %get3A = arith.index_cast %mul3A_15 : i32 to index
      %get3A_16 = tpu.vector_load %arg4[%get3A] {strides = array<i32>} : memref<10000xi32, #tpu.memory_space<vmem>>, vector<16xi32>,
      tpu.vector_store_idx %arg5[%get3A_16], %broadcast_in_dim3A_6 {add = true} : memref<10000xf32, #tpu.memory_space<vmem>>[vector<16xi32>], vector<16xf32>,
    }
    %scan3A_12 = arith.constant 625 : i32
    "tpu.region"() ({
      %run_scoped3A = tpu.sem_alloc : memref<!tpu.dma_semaphore, #tpu.memory_space<semaphore_mem>>
      %dma_start3A = arith.constant 0 : i32
      %dma_start3A_13 = tpu.memref_slice %arg3[%add3A, %dma_start3A] : memref<32x10000xf32, #tpu.memory_space<hbm>> -> memref<1x10000xf32, #tpu.memory_space<hbm>>
      %dma_start3A_14 = tpu.memref_squeeze %dma_start3A_13 : memref<1x10000xf32, #tpu.memory_space<hbm>> -> memref<10000xf32, #tpu.memory_space<hbm>>
      %dma_start3A_15 = arith.constant 0 : i32
      %dma_start3A_16 = tpu.memref_slice %arg3[%add3A, %dma_start3A_15] : memref<32x10000xf32, #tpu.memory_space<hbm>> -> memref<1x10000xf32, #tpu.memory_space<hbm>>
      %dma_start3A_17 = tpu.memref_squeeze %dma_start3A_16 : memref<1x10000xf32, #tpu.memory_space<hbm>> -> memref<10000xf32, #tpu.memory_space<hbm>>
      tpu.enqueue_dma source(%arg5 : memref<10000xf32, #tpu.memory_space<vmem>>) target(%dma_start3A_17 : memref<10000xf32, #tpu.memory_space<hbm>>) target_semaphore(%run_scoped3A : memref<!tpu.dma_semaphore, #tpu.memory_space<semaphore_mem>>)
      %dma_wait3A = arith.constant 0 : i32
      %dma_wait3A_18 = tpu.memref_slice %arg3[%add3A, %dma_wait3A] : memref<32x10000xf32, #tpu.memory_space<hbm>> -> memref<1x10000xf32, #tpu.memory_space<hbm>>
      %dma_wait3A_19 = tpu.memref_squeeze %dma_wait3A_18 : memref<1x10000xf32, #tpu.memory_space<hbm>> -> memref<10000xf32, #tpu.memory_space<hbm>>
      %dma_wait3A_20 = arith.constant 0 : i32
      %dma_wait3A_21 = tpu.memref_slice %arg3[%add3A, %dma_wait3A_20] : memref<32x10000xf32, #tpu.memory_space<hbm>> -> memref<1x10000xf32, #tpu.memory_space<hbm>>
      %dma_wait3A_22 = tpu.memref_squeeze %dma_wait3A_21 : memref<1x10000xf32, #tpu.memory_space<hbm>> -> memref<10000xf32, #tpu.memory_space<hbm>>
      tpu.wait_dma2 semaphore(%run_scoped3A : memref<!tpu.dma_semaphore, #tpu.memory_space<semaphore_mem>>) src(%arg5 : memref<10000xf32, #tpu.memory_space<vmem>>) dst(%dma_wait3A_22 : memref<10000xf32, #tpu.memory_space<hbm>>)
      tpu.yield
    }) : () -> ()
    return
  }
}

#map = affine_map<(d0, d1) -> (0, 0, 0, 0)>
#map1 = affine_map<(d0, d1) -> (0, 0)>
#map2 = affine_map<(d0, d1) -> (0, 0, 0)>
module attributes {stable_mosaic.version = 14 : i64} {
  func.func @_sc_scatter(%arg0: i32, %arg1: i32, %arg2: memref<32x79x1x128xi32, #tpu.memory_space<hbm>>, %arg3: memref<32x79x1x128xi32, #tpu.memory_space<hbm>>, %arg4: memref<10000x128xf32, #tpu.memory_space<hbm>>, %arg5: memref<2x10240x128xf32, #tpu.memory_space<hbm>>, %arg6: memref<16x128xi32, #tpu.memory_space<vmem>>, %arg7: memref<16x128xi32, #tpu.memory_space<vmem>>, %arg8: memref<256x128xf32, #tpu.memory_space<vmem>>, %arg9: memref<10240x128xf32, #tpu.memory_space<vmem_shared>>, %arg10: memref<!tpu.dma_semaphore, #tpu.memory_space<semaphore_mem>>, %arg11: memref<!tpu.dma_semaphore, #tpu.memory_space<semaphore_mem>>) attributes {dimension_semantics = [#tpu.dimension_semantics<core_parallel>, #tpu.dimension_semantics<subcore_parallel>], iteration_bounds = array<i64: 2, 16>, scalar_prefetch = 0 : i64, scratch_operands = 6 : i64, tpu.core_type = #tpu.core_type<sc_vector_subcore>, window_params = [{transform_indices = #map}, {transform_indices = #map}, {transform_indices = #map1}, {transform_indices = #map2}]} {
    %mul3A = arith.constant 2 : i32
    %mul3A_0 = arith.muli %arg1, %mul3A : i32
    %add3A = arith.addi %mul3A_0, %arg0 : i32
    %scan3A = arith.constant 0 : i32
    %scan3A_1 = arith.constant 0 : i32
    %scan3A_2 = arith.constant 256 : i32
    %scan3A_3 = arith.addi %scan3A_1, %scan3A_2 : i32
    %scan3A_4 = arith.constant 1 : i32
    scf.for %scan3A_158 = %scan3A_1 to %scan3A_3 step %scan3A_4  : i32 {
      %broadcast_in_dim3A = arith.constant 0.000000e+00 : f32
      %broadcast_in_dim3A_159 = vector.broadcast %broadcast_in_dim3A : f32 to vector<16xf32>
      %swap3A = arith.index_cast %scan3A_158 : i32 to index
      %swap3A_160 = arith.constant 0 : index
      %swap3A_161 = tpu.vector_load %arg8[%swap3A, %swap3A_160] {strides = array<i32>} : memref<256x128xf32, #tpu.memory_space<vmem>>, vector<1x16xf32>,
      %swap3A_162 = vector.shape_cast %swap3A_161 : vector<1x16xf32> to vector<16xf32>
      %swap3A_163 = vector.shape_cast %broadcast_in_dim3A_159 : vector<16xf32> to vector<1x16xf32>
      tpu.vector_store %arg8[%swap3A, %swap3A_160], %swap3A_163 {strides = array<i32>} : memref<256x128xf32, #tpu.memory_space<vmem>>, vector<1x16xf32>,
      %broadcast_in_dim3A_164 = arith.constant 0.000000e+00 : f32
      %broadcast_in_dim3A_165 = vector.broadcast %broadcast_in_dim3A_164 : f32 to vector<16xf32>
      %swap3A_166 = arith.index_cast %scan3A_158 : i32 to index
      %swap3A_167 = arith.constant 16 : index
      %swap3A_168 = tpu.vector_load %arg8[%swap3A_166, %swap3A_167] {strides = array<i32>} : memref<256x128xf32, #tpu.memory_space<vmem>>, vector<1x16xf32>,
      %swap3A_169 = vector.shape_cast %swap3A_168 : vector<1x16xf32> to vector<16xf32>
      %swap3A_170 = vector.shape_cast %broadcast_in_dim3A_165 : vector<16xf32> to vector<1x16xf32>
      tpu.vector_store %arg8[%swap3A_166, %swap3A_167], %swap3A_170 {strides = array<i32>} : memref<256x128xf32, #tpu.memory_space<vmem>>, vector<1x16xf32>,
      %broadcast_in_dim3A_171 = arith.constant 0.000000e+00 : f32
      %broadcast_in_dim3A_172 = vector.broadcast %broadcast_in_dim3A_171 : f32 to vector<16xf32>
      %swap3A_173 = arith.index_cast %scan3A_158 : i32 to index
      %swap3A_174 = arith.constant 32 : index
      %swap3A_175 = tpu.vector_load %arg8[%swap3A_173, %swap3A_174] {strides = array<i32>} : memref<256x128xf32, #tpu.memory_space<vmem>>, vector<1x16xf32>,
      %swap3A_176 = vector.shape_cast %swap3A_175 : vector<1x16xf32> to vector<16xf32>
      %swap3A_177 = vector.shape_cast %broadcast_in_dim3A_172 : vector<16xf32> to vector<1x16xf32>
      tpu.vector_store %arg8[%swap3A_173, %swap3A_174], %swap3A_177 {strides = array<i32>} : memref<256x128xf32, #tpu.memory_space<vmem>>, vector<1x16xf32>,
      %broadcast_in_dim3A_178 = arith.constant 0.000000e+00 : f32
      %broadcast_in_dim3A_179 = vector.broadcast %broadcast_in_dim3A_178 : f32 to vector<16xf32>
      %swap3A_180 = arith.index_cast %scan3A_158 : i32 to index
      %swap3A_181 = arith.constant 48 : index
      %swap3A_182 = tpu.vector_load %arg8[%swap3A_180, %swap3A_181] {strides = array<i32>} : memref<256x128xf32, #tpu.memory_space<vmem>>, vector<1x16xf32>,
      %swap3A_183 = vector.shape_cast %swap3A_182 : vector<1x16xf32> to vector<16xf32>
      %swap3A_184 = vector.shape_cast %broadcast_in_dim3A_179 : vector<16xf32> to vector<1x16xf32>
      tpu.vector_store %arg8[%swap3A_180, %swap3A_181], %swap3A_184 {strides = array<i32>} : memref<256x128xf32, #tpu.memory_space<vmem>>, vector<1x16xf32>,
      %broadcast_in_dim3A_185 = arith.constant 0.000000e+00 : f32
      %broadcast_in_dim3A_186 = vector.broadcast %broadcast_in_dim3A_185 : f32 to vector<16xf32>
      %swap3A_187 = arith.index_cast %scan3A_158 : i32 to index
      %swap3A_188 = arith.constant 64 : index
      %swap3A_189 = tpu.vector_load %arg8[%swap3A_187, %swap3A_188] {strides = array<i32>} : memref<256x128xf32, #tpu.memory_space<vmem>>, vector<1x16xf32>,
      %swap3A_190 = vector.shape_cast %swap3A_189 : vector<1x16xf32> to vector<16xf32>
      %swap3A_191 = vector.shape_cast %broadcast_in_dim3A_186 : vector<16xf32> to vector<1x16xf32>
      tpu.vector_store %arg8[%swap3A_187, %swap3A_188], %swap3A_191 {strides = array<i32>} : memref<256x128xf32, #tpu.memory_space<vmem>>, vector<1x16xf32>,
      %broadcast_in_dim3A_192 = arith.constant 0.000000e+00 : f32
      %broadcast_in_dim3A_193 = vector.broadcast %broadcast_in_dim3A_192 : f32 to vector<16xf32>
      %swap3A_194 = arith.index_cast %scan3A_158 : i32 to index
      %swap3A_195 = arith.constant 80 : index
      %swap3A_196 = tpu.vector_load %arg8[%swap3A_194, %swap3A_195] {strides = array<i32>} : memref<256x128xf32, #tpu.memory_space<vmem>>, vector<1x16xf32>,
      %swap3A_197 = vector.shape_cast %swap3A_196 : vector<1x16xf32> to vector<16xf32>
      %swap3A_198 = vector.shape_cast %broadcast_in_dim3A_193 : vector<16xf32> to vector<1x16xf32>
      tpu.vector_store %arg8[%swap3A_194, %swap3A_195], %swap3A_198 {strides = array<i32>} : memref<256x128xf32, #tpu.memory_space<vmem>>, vector<1x16xf32>,
      %broadcast_in_dim3A_199 = arith.constant 0.000000e+00 : f32
      %broadcast_in_dim3A_200 = vector.broadcast %broadcast_in_dim3A_199 : f32 to vector<16xf32>
      %swap3A_201 = arith.index_cast %scan3A_158 : i32 to index
      %swap3A_202 = arith.constant 96 : index
      %swap3A_203 = tpu.vector_load %arg8[%swap3A_201, %swap3A_202] {strides = array<i32>} : memref<256x128xf32, #tpu.memory_space<vmem>>, vector<1x16xf32>,
      %swap3A_204 = vector.shape_cast %swap3A_203 : vector<1x16xf32> to vector<16xf32>
      %swap3A_205 = vector.shape_cast %broadcast_in_dim3A_200 : vector<16xf32> to vector<1x16xf32>
      tpu.vector_store %arg8[%swap3A_201, %swap3A_202], %swap3A_205 {strides = array<i32>} : memref<256x128xf32, #tpu.memory_space<vmem>>, vector<1x16xf32>,
      %broadcast_in_dim3A_206 = arith.constant 0.000000e+00 : f32
      %broadcast_in_dim3A_207 = vector.broadcast %broadcast_in_dim3A_206 : f32 to vector<16xf32>
      %swap3A_208 = arith.index_cast %scan3A_158 : i32 to index
      %swap3A_209 = arith.constant 112 : index
      %swap3A_210 = tpu.vector_load %arg8[%swap3A_208, %swap3A_209] {strides = array<i32>} : memref<256x128xf32, #tpu.memory_space<vmem>>, vector<1x16xf32>,
      %swap3A_211 = vector.shape_cast %swap3A_210 : vector<1x16xf32> to vector<16xf32>
      %swap3A_212 = vector.shape_cast %broadcast_in_dim3A_207 : vector<16xf32> to vector<1x16xf32>
      tpu.vector_store %arg8[%swap3A_208, %swap3A_209], %swap3A_212 {strides = array<i32>} : memref<256x128xf32, #tpu.memory_space<vmem>>, vector<1x16xf32>,
    }
    %scan3A_5 = arith.constant 256 : i32
    %mul3A_6 = arith.constant 640 : i32
    %mul3A_7 = arith.muli %arg1, %mul3A_6 : i32
    %add3A_8 = arith.constant 0 : i32
    %add3A_9 = arith.addi %mul3A_7, %add3A_8 : i32
    "tpu.region"() ({
      %run_scoped3A = tpu.sem_alloc : memref<!tpu.dma_semaphore, #tpu.memory_space<semaphore_mem>>
      %dma_start3A_158 = arith.constant 0 : i32
      %dma_start3A_159 = tpu.memref_slice %arg9[%add3A_9, %dma_start3A_158] : memref<10240x128xf32, #tpu.memory_space<vmem_shared>> -> memref<256x128xf32, #tpu.memory_space<vmem_shared>>
      %dma_start3A_160 = arith.constant 0 : i32
      %dma_start3A_161 = tpu.memref_slice %arg9[%add3A_9, %dma_start3A_160] : memref<10240x128xf32, #tpu.memory_space<vmem_shared>> -> memref<256x128xf32, #tpu.memory_space<vmem_shared>>
      tpu.enqueue_dma source(%arg8 : memref<256x128xf32, #tpu.memory_space<vmem>>) target(%dma_start3A_161 : memref<256x128xf32, #tpu.memory_space<vmem_shared>>) target_semaphore(%run_scoped3A : memref<!tpu.dma_semaphore, #tpu.memory_space<semaphore_mem>>)
      %dma_wait3A_162 = arith.constant 0 : i32
      %dma_wait3A_163 = tpu.memref_slice %arg9[%add3A_9, %dma_wait3A_162] : memref<10240x128xf32, #tpu.memory_space<vmem_shared>> -> memref<256x128xf32, #tpu.memory_space<vmem_shared>>
      %dma_wait3A_164 = arith.constant 0 : i32
      %dma_wait3A_165 = tpu.memref_slice %arg9[%add3A_9, %dma_wait3A_164] : memref<10240x128xf32, #tpu.memory_space<vmem_shared>> -> memref<256x128xf32, #tpu.memory_space<vmem_shared>>
      tpu.wait_dma2 semaphore(%run_scoped3A : memref<!tpu.dma_semaphore, #tpu.memory_space<semaphore_mem>>) src(%arg8 : memref<256x128xf32, #tpu.memory_space<vmem>>) dst(%dma_wait3A_165 : memref<256x128xf32, #tpu.memory_space<vmem_shared>>)
      tpu.yield
    }) : () -> ()
    %mul3A_10 = arith.constant 640 : i32
    %mul3A_11 = arith.muli %arg1, %mul3A_10 : i32
    %add3A_12 = arith.constant 256 : i32
    %add3A_13 = arith.addi %mul3A_11, %add3A_12 : i32
    "tpu.region"() ({
      %run_scoped3A = tpu.sem_alloc : memref<!tpu.dma_semaphore, #tpu.memory_space<semaphore_mem>>
      %dma_start3A_158 = arith.constant 0 : i32
      %dma_start3A_159 = tpu.memref_slice %arg9[%add3A_13, %dma_start3A_158] : memref<10240x128xf32, #tpu.memory_space<vmem_shared>> -> memref<256x128xf32, #tpu.memory_space<vmem_shared>>
      %dma_start3A_160 = arith.constant 0 : i32
      %dma_start3A_161 = tpu.memref_slice %arg9[%add3A_13, %dma_start3A_160] : memref<10240x128xf32, #tpu.memory_space<vmem_shared>> -> memref<256x128xf32, #tpu.memory_space<vmem_shared>>
      tpu.enqueue_dma source(%arg8 : memref<256x128xf32, #tpu.memory_space<vmem>>) target(%dma_start3A_161 : memref<256x128xf32, #tpu.memory_space<vmem_shared>>) target_semaphore(%run_scoped3A : memref<!tpu.dma_semaphore, #tpu.memory_space<semaphore_mem>>)
      %dma_wait3A_162 = arith.constant 0 : i32
      %dma_wait3A_163 = tpu.memref_slice %arg9[%add3A_13, %dma_wait3A_162] : memref<10240x128xf32, #tpu.memory_space<vmem_shared>> -> memref<256x128xf32, #tpu.memory_space<vmem_shared>>
      %dma_wait3A_164 = arith.constant 0 : i32
      %dma_wait3A_165 = tpu.memref_slice %arg9[%add3A_13, %dma_wait3A_164] : memref<10240x128xf32, #tpu.memory_space<vmem_shared>> -> memref<256x128xf32, #tpu.memory_space<vmem_shared>>
      tpu.wait_dma2 semaphore(%run_scoped3A : memref<!tpu.dma_semaphore, #tpu.memory_space<semaphore_mem>>) src(%arg8 : memref<256x128xf32, #tpu.memory_space<vmem>>) dst(%dma_wait3A_165 : memref<256x128xf32, #tpu.memory_space<vmem_shared>>)
      tpu.yield
    }) : () -> ()
    %mul3A_14 = arith.constant 640 : i32
    %mul3A_15 = arith.muli %arg1, %mul3A_14 : i32
    %add3A_16 = arith.constant 512 : i32
    %add3A_17 = arith.addi %mul3A_15, %add3A_16 : i32
    "tpu.region"() ({
      %run_scoped3A = tpu.sem_alloc : memref<!tpu.dma_semaphore, #tpu.memory_space<semaphore_mem>>
      %dma_start3A_158 = arith.constant 0 : i32
      %dma_start3A_159 = arith.constant 0 : i32
      %dma_start3A_160 = tpu.memref_slice %arg8[%dma_start3A_158, %dma_start3A_159] : memref<256x128xf32, #tpu.memory_space<vmem>> -> memref<128x128xf32, #tpu.memory_space<vmem>>
      %dma_start3A_161 = arith.constant 0 : i32
      %dma_start3A_162 = tpu.memref_slice %arg9[%add3A_17, %dma_start3A_161] : memref<10240x128xf32, #tpu.memory_space<vmem_shared>> -> memref<128x128xf32, #tpu.memory_space<vmem_shared>>
      %dma_start3A_163 = arith.constant 0 : i32
      %dma_start3A_164 = tpu.memref_slice %arg9[%add3A_17, %dma_start3A_163] : memref<10240x128xf32, #tpu.memory_space<vmem_shared>> -> memref<128x128xf32, #tpu.memory_space<vmem_shared>>
      %dma_start3A_165 = arith.constant 0 : i32
      %dma_start3A_166 = arith.constant 0 : i32
      %dma_start3A_167 = tpu.memref_slice %arg8[%dma_start3A_165, %dma_start3A_166] : memref<256x128xf32, #tpu.memory_space<vmem>> -> memref<128x128xf32, #tpu.memory_space<vmem>>
      tpu.enqueue_dma source(%dma_start3A_167 : memref<128x128xf32, #tpu.memory_space<vmem>>) target(%dma_start3A_164 : memref<128x128xf32, #tpu.memory_space<vmem_shared>>) target_semaphore(%run_scoped3A : memref<!tpu.dma_semaphore, #tpu.memory_space<semaphore_mem>>)
      %dma_wait3A_168 = arith.constant 0 : i32
      %dma_wait3A_169 = arith.constant 0 : i32
      %dma_wait3A_170 = tpu.memref_slice %arg8[%dma_wait3A_168, %dma_wait3A_169] : memref<256x128xf32, #tpu.memory_space<vmem>> -> memref<128x128xf32, #tpu.memory_space<vmem>>
      %dma_wait3A_171 = arith.constant 0 : i32
      %dma_wait3A_172 = tpu.memref_slice %arg9[%add3A_17, %dma_wait3A_171] : memref<10240x128xf32, #tpu.memory_space<vmem_shared>> -> memref<128x128xf32, #tpu.memory_space<vmem_shared>>
      %dma_wait3A_173 = arith.constant 0 : i32
      %dma_wait3A_174 = tpu.memref_slice %arg9[%add3A_17, %dma_wait3A_173] : memref<10240x128xf32, #tpu.memory_space<vmem_shared>> -> memref<128x128xf32, #tpu.memory_space<vmem_shared>>
      %dma_wait3A_175 = arith.constant 0 : i32
      %dma_wait3A_176 = arith.constant 0 : i32
      %dma_wait3A_177 = tpu.memref_slice %arg8[%dma_wait3A_175, %dma_wait3A_176] : memref<256x128xf32, #tpu.memory_space<vmem>> -> memref<128x128xf32, #tpu.memory_space<vmem>>
      tpu.wait_dma2 semaphore(%run_scoped3A : memref<!tpu.dma_semaphore, #tpu.memory_space<semaphore_mem>>) src(%dma_wait3A_177 : memref<128x128xf32, #tpu.memory_space<vmem>>) dst(%dma_wait3A_174 : memref<128x128xf32, #tpu.memory_space<vmem_shared>>)
      tpu.yield
    }) : () -> ()
    %barrier3A = arith.constant 0 : index
    tpu.barrier barrier_id(%barrier3A)
    %multiple_of3A = arith.constant 0 : i32
    %multiple_of3A_18 = tpu.assume_multiple %multiple_of3A, 8 : i32
    %dma_start3A = arith.constant 0 : i32
    %dma_start3A_19 = arith.constant 0 : i32
    %dma_start3A_20 = tpu.memref_slice %arg6[%multiple_of3A_18, %dma_start3A_19] : memref<16x128xi32, #tpu.memory_space<vmem>> -> memref<1x128xi32, #tpu.memory_space<vmem>>
    %dma_start3A_21 = arith.constant 0 : i32
    %dma_start3A_22 = arith.constant 0 : i32
    %dma_start3A_23 = tpu.memref_slice %arg2[%add3A, %dma_start3A, %dma_start3A_21, %dma_start3A_22] : memref<32x79x1x128xi32, #tpu.memory_space<hbm>> -> memref<1x1x1x128xi32, #tpu.memory_space<hbm>>
    %dma_start3A_24 = tpu.memref_squeeze %dma_start3A_23 : memref<1x1x1x128xi32, #tpu.memory_space<hbm>> -> memref<1x128xi32, #tpu.memory_space<hbm>>
    %dma_start3A_25 = arith.constant 0 : i32
    %dma_start3A_26 = tpu.memref_slice %arg6[%multiple_of3A_18, %dma_start3A_25] : memref<16x128xi32, #tpu.memory_space<vmem>> -> memref<1x128xi32, #tpu.memory_space<vmem>>
    %dma_start3A_27 = arith.constant 0 : i32
    %dma_start3A_28 = arith.constant 0 : i32
    %dma_start3A_29 = tpu.memref_slice %arg2[%add3A, %dma_start3A, %dma_start3A_27, %dma_start3A_28] : memref<32x79x1x128xi32, #tpu.memory_space<hbm>> -> memref<1x1x1x128xi32, #tpu.memory_space<hbm>>
    %dma_start3A_30 = tpu.memref_squeeze %dma_start3A_29 : memref<1x1x1x128xi32, #tpu.memory_space<hbm>> -> memref<1x128xi32, #tpu.memory_space<hbm>>
    tpu.enqueue_dma source(%dma_start3A_30 : memref<1x128xi32, #tpu.memory_space<hbm>>) target(%dma_start3A_26 : memref<1x128xi32, #tpu.memory_space<vmem>>) target_semaphore(%arg11 : memref<!tpu.dma_semaphore, #tpu.memory_space<semaphore_mem>>)
    %dma_start3A_31 = arith.constant 0 : i32
    %dma_start3A_32 = arith.constant 0 : i32
    %dma_start3A_33 = tpu.memref_slice %arg7[%multiple_of3A_18, %dma_start3A_32] : memref<16x128xi32, #tpu.memory_space<vmem>> -> memref<1x128xi32, #tpu.memory_space<vmem>>
    %dma_start3A_34 = arith.constant 0 : i32
    %dma_start3A_35 = arith.constant 0 : i32
    %dma_start3A_36 = tpu.memref_slice %arg3[%add3A, %dma_start3A_31, %dma_start3A_34, %dma_start3A_35] : memref<32x79x1x128xi32, #tpu.memory_space<hbm>> -> memref<1x1x1x128xi32, #tpu.memory_space<hbm>>
    %dma_start3A_37 = tpu.memref_squeeze %dma_start3A_36 : memref<1x1x1x128xi32, #tpu.memory_space<hbm>> -> memref<1x128xi32, #tpu.memory_space<hbm>>
    %dma_start3A_38 = arith.constant 0 : i32
    %dma_start3A_39 = tpu.memref_slice %arg7[%multiple_of3A_18, %dma_start3A_38] : memref<16x128xi32, #tpu.memory_space<vmem>> -> memref<1x128xi32, #tpu.memory_space<vmem>>
    %dma_start3A_40 = arith.constant 0 : i32
    %dma_start3A_41 = arith.constant 0 : i32
    %dma_start3A_42 = tpu.memref_slice %arg3[%add3A, %dma_start3A_31, %dma_start3A_40, %dma_start3A_41] : memref<32x79x1x128xi32, #tpu.memory_space<hbm>> -> memref<1x1x1x128xi32, #tpu.memory_space<hbm>>
    %dma_start3A_43 = tpu.memref_squeeze %dma_start3A_42 : memref<1x1x1x128xi32, #tpu.memory_space<hbm>> -> memref<1x128xi32, #tpu.memory_space<hbm>>
    tpu.enqueue_dma source(%dma_start3A_43 : memref<1x128xi32, #tpu.memory_space<hbm>>) target(%dma_start3A_39 : memref<1x128xi32, #tpu.memory_space<vmem>>) target_semaphore(%arg11 : memref<!tpu.dma_semaphore, #tpu.memory_space<semaphore_mem>>)
    %dma_wait3A = arith.constant 0 : i32
    %dma_wait3A_44 = arith.constant 0 : i32
    %dma_wait3A_45 = tpu.memref_slice %arg6[%multiple_of3A_18, %dma_wait3A_44] : memref<16x128xi32, #tpu.memory_space<vmem>> -> memref<1x128xi32, #tpu.memory_space<vmem>>
    %dma_wait3A_46 = arith.constant 0 : i32
    %dma_wait3A_47 = arith.constant 0 : i32
    %dma_wait3A_48 = tpu.memref_slice %arg2[%add3A, %dma_wait3A, %dma_wait3A_46, %dma_wait3A_47] : memref<32x79x1x128xi32, #tpu.memory_space<hbm>> -> memref<1x1x1x128xi32, #tpu.memory_space<hbm>>
    %dma_wait3A_49 = tpu.memref_squeeze %dma_wait3A_48 : memref<1x1x1x128xi32, #tpu.memory_space<hbm>> -> memref<1x128xi32, #tpu.memory_space<hbm>>
    %dma_wait3A_50 = arith.constant 0 : i32
    %dma_wait3A_51 = tpu.memref_slice %arg6[%multiple_of3A_18, %dma_wait3A_50] : memref<16x128xi32, #tpu.memory_space<vmem>> -> memref<1x128xi32, #tpu.memory_space<vmem>>
    %dma_wait3A_52 = arith.constant 0 : i32
    %dma_wait3A_53 = arith.constant 0 : i32
    %dma_wait3A_54 = tpu.memref_slice %arg2[%add3A, %dma_wait3A, %dma_wait3A_52, %dma_wait3A_53] : memref<32x79x1x128xi32, #tpu.memory_space<hbm>> -> memref<1x1x1x128xi32, #tpu.memory_space<hbm>>
    %dma_wait3A_55 = tpu.memref_squeeze %dma_wait3A_54 : memref<1x1x1x128xi32, #tpu.memory_space<hbm>> -> memref<1x128xi32, #tpu.memory_space<hbm>>
    tpu.wait_dma2 semaphore(%arg11 : memref<!tpu.dma_semaphore, #tpu.memory_space<semaphore_mem>>) src(%dma_wait3A_55 : memref<1x128xi32, #tpu.memory_space<hbm>>) dst(%dma_wait3A_51 : memref<1x128xi32, #tpu.memory_space<vmem>>)
    %dma_wait3A_56 = arith.constant 0 : i32
    %dma_wait3A_57 = arith.constant 0 : i32
    %dma_wait3A_58 = tpu.memref_slice %arg7[%multiple_of3A_18, %dma_wait3A_57] : memref<16x128xi32, #tpu.memory_space<vmem>> -> memref<1x128xi32, #tpu.memory_space<vmem>>
    %dma_wait3A_59 = arith.constant 0 : i32
    %dma_wait3A_60 = arith.constant 0 : i32
    %dma_wait3A_61 = tpu.memref_slice %arg3[%add3A, %dma_wait3A_56, %dma_wait3A_59, %dma_wait3A_60] : memref<32x79x1x128xi32, #tpu.memory_space<hbm>> -> memref<1x1x1x128xi32, #tpu.memory_space<hbm>>
    %dma_wait3A_62 = tpu.memref_squeeze %dma_wait3A_61 : memref<1x1x1x128xi32, #tpu.memory_space<hbm>> -> memref<1x128xi32, #tpu.memory_space<hbm>>
    %dma_wait3A_63 = arith.constant 0 : i32
    %dma_wait3A_64 = tpu.memref_slice %arg7[%multiple_of3A_18, %dma_wait3A_63] : memref<16x128xi32, #tpu.memory_space<vmem>> -> memref<1x128xi32, #tpu.memory_space<vmem>>
    %dma_wait3A_65 = arith.constant 0 : i32
    %dma_wait3A_66 = arith.constant 0 : i32
    %dma_wait3A_67 = tpu.memref_slice %arg3[%add3A, %dma_wait3A_56, %dma_wait3A_65, %dma_wait3A_66] : memref<32x79x1x128xi32, #tpu.memory_space<hbm>> -> memref<1x1x1x128xi32, #tpu.memory_space<hbm>>
    %dma_wait3A_68 = tpu.memref_squeeze %dma_wait3A_67 : memref<1x1x1x128xi32, #tpu.memory_space<hbm>> -> memref<1x128xi32, #tpu.memory_space<hbm>>
    tpu.wait_dma2 semaphore(%arg11 : memref<!tpu.dma_semaphore, #tpu.memory_space<semaphore_mem>>) src(%dma_wait3A_68 : memref<1x128xi32, #tpu.memory_space<hbm>>) dst(%dma_wait3A_64 : memref<1x128xi32, #tpu.memory_space<vmem>>)
    %multiple_of3A_69 = arith.constant 0 : i32
    %multiple_of3A_70 = tpu.assume_multiple %multiple_of3A_69, 8 : i32
    %dma_start3A_71 = arith.constant 0 : i32
    %dma_start3A_72 = arith.constant 0 : i32
    %dma_start3A_73 = tpu.memref_slice %arg8[%multiple_of3A_70, %dma_start3A_72] : memref<256x128xf32, #tpu.memory_space<vmem>> -> memref<128x128xf32, #tpu.memory_space<vmem>>
    %dma_start3A_74 = arith.constant 0 : i32
    %dma_start3A_75 = tpu.memref_slice %arg6[%dma_start3A_71, %dma_start3A_74] : memref<16x128xi32, #tpu.memory_space<vmem>> -> memref<1x128xi32, #tpu.memory_space<vmem>>
    %dma_start3A_76 = tpu.memref_squeeze %dma_start3A_75 : memref<1x128xi32, #tpu.memory_space<vmem>> -> memref<128xi32, #tpu.memory_space<vmem>>
    %dma_start3A_77 = arith.constant 0 : i32
    %dma_start3A_78 = arith.constant 0 : i32
    %dma_start3A_79 = tpu.memref_slice %arg4[%dma_start3A_77, %dma_start3A_78] : memref<10000x128xf32, #tpu.memory_space<hbm>> -> memref<10000x128xf32, #tpu.memory_space<hbm>>
    tpu.enqueue_indirect_dma source(%dma_start3A_79 : memref<10000x128xf32, #tpu.memory_space<hbm>>) target(%dma_start3A_73 : memref<128x128xf32, #tpu.memory_space<vmem>>) offsets(%dma_start3A_76 : memref<128xi32, #tpu.memory_space<vmem>>) semaphore(%arg10 : memref<!tpu.dma_semaphore, #tpu.memory_space<semaphore_mem>>)
    %multiple_of3A_80 = arith.constant 8 : i32
    %multiple_of3A_81 = tpu.assume_multiple %multiple_of3A_80, 8 : i32
    %dma_start3A_82 = arith.constant 1 : i32
    %dma_start3A_83 = arith.constant 0 : i32
    %dma_start3A_84 = tpu.memref_slice %arg6[%multiple_of3A_81, %dma_start3A_83] : memref<16x128xi32, #tpu.memory_space<vmem>> -> memref<1x128xi32, #tpu.memory_space<vmem>>
    %dma_start3A_85 = arith.constant 0 : i32
    %dma_start3A_86 = arith.constant 0 : i32
    %dma_start3A_87 = tpu.memref_slice %arg2[%add3A, %dma_start3A_82, %dma_start3A_85, %dma_start3A_86] : memref<32x79x1x128xi32, #tpu.memory_space<hbm>> -> memref<1x1x1x128xi32, #tpu.memory_space<hbm>>
    %dma_start3A_88 = tpu.memref_squeeze %dma_start3A_87 : memref<1x1x1x128xi32, #tpu.memory_space<hbm>> -> memref<1x128xi32, #tpu.memory_space<hbm>>
    %dma_start3A_89 = arith.constant 0 : i32
    %dma_start3A_90 = tpu.memref_slice %arg6[%multiple_of3A_81, %dma_start3A_89] : memref<16x128xi32, #tpu.memory_space<vmem>> -> memref<1x128xi32, #tpu.memory_space<vmem>>
    %dma_start3A_91 = arith.constant 0 : i32
    %dma_start3A_92 = arith.constant 0 : i32
    %dma_start3A_93 = tpu.memref_slice %arg2[%add3A, %dma_start3A_82, %dma_start3A_91, %dma_start3A_92] : memref<32x79x1x128xi32, #tpu.memory_space<hbm>> -> memref<1x1x1x128xi32, #tpu.memory_space<hbm>>
    %dma_start3A_94 = tpu.memref_squeeze %dma_start3A_93 : memref<1x1x1x128xi32, #tpu.memory_space<hbm>> -> memref<1x128xi32, #tpu.memory_space<hbm>>
    tpu.enqueue_dma source(%dma_start3A_94 : memref<1x128xi32, #tpu.memory_space<hbm>>) target(%dma_start3A_90 : memref<1x128xi32, #tpu.memory_space<vmem>>) target_semaphore(%arg11 : memref<!tpu.dma_semaphore, #tpu.memory_space<semaphore_mem>>)
    %dma_start3A_95 = arith.constant 1 : i32
    %dma_start3A_96 = arith.constant 0 : i32
    %dma_start3A_97 = tpu.memref_slice %arg7[%multiple_of3A_81, %dma_start3A_96] : memref<16x128xi32, #tpu.memory_space<vmem>> -> memref<1x128xi32, #tpu.memory_space<vmem>>
    %dma_start3A_98 = arith.constant 0 : i32
    %dma_start3A_99 = arith.constant 0 : i32
    %dma_start3A_100 = tpu.memref_slice %arg3[%add3A, %dma_start3A_95, %dma_start3A_98, %dma_start3A_99] : memref<32x79x1x128xi32, #tpu.memory_space<hbm>> -> memref<1x1x1x128xi32, #tpu.memory_space<hbm>>
    %dma_start3A_101 = tpu.memref_squeeze %dma_start3A_100 : memref<1x1x1x128xi32, #tpu.memory_space<hbm>> -> memref<1x128xi32, #tpu.memory_space<hbm>>
    %dma_start3A_102 = arith.constant 0 : i32
    %dma_start3A_103 = tpu.memref_slice %arg7[%multiple_of3A_81, %dma_start3A_102] : memref<16x128xi32, #tpu.memory_space<vmem>> -> memref<1x128xi32, #tpu.memory_space<vmem>>
    %dma_start3A_104 = arith.constant 0 : i32
    %dma_start3A_105 = arith.constant 0 : i32
    %dma_start3A_106 = tpu.memref_slice %arg3[%add3A, %dma_start3A_95, %dma_start3A_104, %dma_start3A_105] : memref<32x79x1x128xi32, #tpu.memory_space<hbm>> -> memref<1x1x1x128xi32, #tpu.memory_space<hbm>>
    %dma_start3A_107 = tpu.memref_squeeze %dma_start3A_106 : memref<1x1x1x128xi32, #tpu.memory_space<hbm>> -> memref<1x128xi32, #tpu.memory_space<hbm>>
    tpu.enqueue_dma source(%dma_start3A_107 : memref<1x128xi32, #tpu.memory_space<hbm>>) target(%dma_start3A_103 : memref<1x128xi32, #tpu.memory_space<vmem>>) target_semaphore(%arg11 : memref<!tpu.dma_semaphore, #tpu.memory_space<semaphore_mem>>)
    %scan3A_108 = arith.constant 0 : i32
    %scan3A_109 = arith.constant 0 : i32
    %scan3A_110 = arith.constant 79 : i32
    %scan3A_111 = arith.addi %scan3A_109, %scan3A_110 : i32
    %scan3A_112 = arith.constant 1 : i32
    scf.for %scan3A_158 = %scan3A_109 to %scan3A_111 step %scan3A_112  : i32 {
      %jit3A = arith.constant 2 : i32
      %eq3A = arith.constant 0 : i32
      %eq3A_159 = arith.cmpi eq, %jit3A, %eq3A : i32
      %jit3A_160 = arith.constant 1 : i32
      %select_n3A = arith.select %eq3A_159, %jit3A_160, %jit3A : i32
      %rem3A = arith.remsi %scan3A_158, %select_n3A : i32
      %ne3A = arith.constant 0 : i32
      %ne3A_161 = arith.cmpi ne, %rem3A, %ne3A : i32
      %lt3A = arith.constant 0 : i32
      %lt3A_162 = arith.cmpi slt, %rem3A, %lt3A : i32
      %lt3A_163 = arith.constant 0 : i32
      %lt3A_164 = arith.cmpi slt, %select_n3A, %lt3A_163 : i32
      %ne3A_165 = arith.xori %lt3A_162, %lt3A_164 : i1
      %and3A = arith.andi %ne3A_165, %ne3A_161 : i1
      %add3A_166 = arith.addi %rem3A, %select_n3A : i32
      %select_n3A_167 = arith.select %and3A, %add3A_166, %rem3A : i32
      %sub3A = arith.constant 1 : i32
      %sub3A_168 = arith.subi %sub3A, %select_n3A_167 : i32
      %mul3A_169 = arith.constant 128 : i32
      %mul3A_170 = arith.muli %select_n3A_167, %mul3A_169 : i32
      %multiple_of3A_171 = tpu.assume_multiple %mul3A_170, 8 : i32
      %mul3A_172 = arith.constant 8 : i32
      %mul3A_173 = arith.muli %select_n3A_167, %mul3A_172 : i32
      %dma_wait3A_174 = arith.constant 0 : i32
      %dma_wait3A_175 = tpu.memref_slice %arg8[%multiple_of3A_171, %dma_wait3A_174] : memref<256x128xf32, #tpu.memory_space<vmem>> -> memref<128x128xf32, #tpu.memory_space<vmem>>
      %dma_wait3A_176 = arith.constant 0 : i32
      %dma_wait3A_177 = tpu.memref_slice %arg6[%mul3A_173, %dma_wait3A_176] : memref<16x128xi32, #tpu.memory_space<vmem>> -> memref<1x128xi32, #tpu.memory_space<vmem>>
      %dma_wait3A_178 = tpu.memref_squeeze %dma_wait3A_177 : memref<1x128xi32, #tpu.memory_space<vmem>> -> memref<128xi32, #tpu.memory_space<vmem>>
      %dma_wait3A_179 = arith.constant 0 : i32
      %dma_wait3A_180 = arith.constant 0 : i32
      %dma_wait3A_181 = tpu.memref_slice %arg4[%dma_wait3A_179, %dma_wait3A_180] : memref<10000x128xf32, #tpu.memory_space<hbm>> -> memref<10000x128xf32, #tpu.memory_space<hbm>>
      tpu.wait_indirect_dma semaphore(%arg10 : memref<!tpu.dma_semaphore, #tpu.memory_space<semaphore_mem>>) src(%dma_wait3A_181 : memref<10000x128xf32, #tpu.memory_space<hbm>>) dst(%dma_wait3A_175 : memref<128x128xf32, #tpu.memory_space<vmem>>)
      %add3A_182 = arith.constant 1 : i32
      %add3A_183 = arith.addi %scan3A_158, %add3A_182 : i32
      %min3A = arith.constant 78 : i32
      %min3A_184 = arith.minsi %add3A_183, %min3A : i32
      %mul3A_185 = arith.constant 8 : i32
      %mul3A_186 = arith.muli %sub3A_168, %mul3A_185 : i32
      %multiple_of3A_187 = tpu.assume_multiple %mul3A_186, 8 : i32
      %dma_wait3A_188 = arith.constant 0 : i32
      %dma_wait3A_189 = tpu.memref_slice %arg6[%multiple_of3A_187, %dma_wait3A_188] : memref<16x128xi32, #tpu.memory_space<vmem>> -> memref<1x128xi32, #tpu.memory_space<vmem>>
      %dma_wait3A_190 = arith.constant 0 : i32
      %dma_wait3A_191 = arith.constant 0 : i32
      %dma_wait3A_192 = tpu.memref_slice %arg2[%add3A, %min3A_184, %dma_wait3A_190, %dma_wait3A_191] : memref<32x79x1x128xi32, #tpu.memory_space<hbm>> -> memref<1x1x1x128xi32, #tpu.memory_space<hbm>>
      %dma_wait3A_193 = tpu.memref_squeeze %dma_wait3A_192 : memref<1x1x1x128xi32, #tpu.memory_space<hbm>> -> memref<1x128xi32, #tpu.memory_space<hbm>>
      %dma_wait3A_194 = arith.constant 0 : i32
      %dma_wait3A_195 = tpu.memref_slice %arg6[%multiple_of3A_187, %dma_wait3A_194] : memref<16x128xi32, #tpu.memory_space<vmem>> -> memref<1x128xi32, #tpu.memory_space<vmem>>
      %dma_wait3A_196 = arith.constant 0 : i32
      %dma_wait3A_197 = arith.constant 0 : i32
      %dma_wait3A_198 = tpu.memref_slice %arg2[%add3A, %min3A_184, %dma_wait3A_196, %dma_wait3A_197] : memref<32x79x1x128xi32, #tpu.memory_space<hbm>> -> memref<1x1x1x128xi32, #tpu.memory_space<hbm>>
      %dma_wait3A_199 = tpu.memref_squeeze %dma_wait3A_198 : memref<1x1x1x128xi32, #tpu.memory_space<hbm>> -> memref<1x128xi32, #tpu.memory_space<hbm>>
      tpu.wait_dma2 semaphore(%arg11 : memref<!tpu.dma_semaphore, #tpu.memory_space<semaphore_mem>>) src(%dma_wait3A_199 : memref<1x128xi32, #tpu.memory_space<hbm>>) dst(%dma_wait3A_195 : memref<1x128xi32, #tpu.memory_space<vmem>>)
      %dma_wait3A_200 = arith.constant 0 : i32
      %dma_wait3A_201 = tpu.memref_slice %arg7[%multiple_of3A_187, %dma_wait3A_200] : memref<16x128xi32, #tpu.memory_space<vmem>> -> memref<1x128xi32, #tpu.memory_space<vmem>>
      %dma_wait3A_202 = arith.constant 0 : i32
      %dma_wait3A_203 = arith.constant 0 : i32
      %dma_wait3A_204 = tpu.memref_slice %arg3[%add3A, %min3A_184, %dma_wait3A_202, %dma_wait3A_203] : memref<32x79x1x128xi32, #tpu.memory_space<hbm>> -> memref<1x1x1x128xi32, #tpu.memory_space<hbm>>
      %dma_wait3A_205 = tpu.memref_squeeze %dma_wait3A_204 : memref<1x1x1x128xi32, #tpu.memory_space<hbm>> -> memref<1x128xi32, #tpu.memory_space<hbm>>
      %dma_wait3A_206 = arith.constant 0 : i32
      %dma_wait3A_207 = tpu.memref_slice %arg7[%multiple_of3A_187, %dma_wait3A_206] : memref<16x128xi32, #tpu.memory_space<vmem>> -> memref<1x128xi32, #tpu.memory_space<vmem>>
      %dma_wait3A_208 = arith.constant 0 : i32
      %dma_wait3A_209 = arith.constant 0 : i32
      %dma_wait3A_210 = tpu.memref_slice %arg3[%add3A, %min3A_184, %dma_wait3A_208, %dma_wait3A_209] : memref<32x79x1x128xi32, #tpu.memory_space<hbm>> -> memref<1x1x1x128xi32, #tpu.memory_space<hbm>>
      %dma_wait3A_211 = tpu.memref_squeeze %dma_wait3A_210 : memref<1x1x1x128xi32, #tpu.memory_space<hbm>> -> memref<1x128xi32, #tpu.memory_space<hbm>>
      tpu.wait_dma2 semaphore(%arg11 : memref<!tpu.dma_semaphore, #tpu.memory_space<semaphore_mem>>) src(%dma_wait3A_211 : memref<1x128xi32, #tpu.memory_space<hbm>>) dst(%dma_wait3A_207 : memref<1x128xi32, #tpu.memory_space<vmem>>)
      %mul3A_212 = arith.constant 128 : i32
      %mul3A_213 = arith.muli %sub3A_168, %mul3A_212 : i32
      %multiple_of3A_214 = tpu.assume_multiple %mul3A_213, 8 : i32
      %mul3A_215 = arith.constant 8 : i32
      %mul3A_216 = arith.muli %sub3A_168, %mul3A_215 : i32
      %dma_start3A_217 = arith.constant 0 : i32
      %dma_start3A_218 = tpu.memref_slice %arg8[%multiple_of3A_214, %dma_start3A_217] : memref<256x128xf32, #tpu.memory_space<vmem>> -> memref<128x128xf32, #tpu.memory_space<vmem>>
      %dma_start3A_219 = arith.constant 0 : i32
      %dma_start3A_220 = tpu.memref_slice %arg6[%mul3A_216, %dma_start3A_219] : memref<16x128xi32, #tpu.memory_space<vmem>> -> memref<1x128xi32, #tpu.memory_space<vmem>>
      %dma_start3A_221 = tpu.memref_squeeze %dma_start3A_220 : memref<1x128xi32, #tpu.memory_space<vmem>> -> memref<128xi32, #tpu.memory_space<vmem>>
      %dma_start3A_222 = arith.constant 0 : i32
      %dma_start3A_223 = arith.constant 0 : i32
      %dma_start3A_224 = tpu.memref_slice %arg4[%dma_start3A_222, %dma_start3A_223] : memref<10000x128xf32, #tpu.memory_space<hbm>> -> memref<10000x128xf32, #tpu.memory_space<hbm>>
      tpu.enqueue_indirect_dma source(%dma_start3A_224 : memref<10000x128xf32, #tpu.memory_space<hbm>>) target(%dma_start3A_218 : memref<128x128xf32, #tpu.memory_space<vmem>>) offsets(%dma_start3A_221 : memref<128xi32, #tpu.memory_space<vmem>>) semaphore(%arg10 : memref<!tpu.dma_semaphore, #tpu.memory_space<semaphore_mem>>)
      %mul3A_225 = arith.constant 128 : i32
      %mul3A_226 = arith.muli %select_n3A_167, %mul3A_225 : i32
      %multiple_of3A_227 = tpu.assume_multiple %mul3A_226, 8 : i32
      %mul3A_228 = arith.constant 8 : i32
      %mul3A_229 = arith.muli %select_n3A_167, %mul3A_228 : i32
      "tpu.region"() ({
        %run_scoped3A = tpu.sem_alloc : memref<!tpu.dma_semaphore, #tpu.memory_space<semaphore_mem>>
        %dma_start3A_261 = arith.constant 0 : i32
        %dma_start3A_262 = tpu.memref_slice %arg8[%multiple_of3A_227, %dma_start3A_261] : memref<256x128xf32, #tpu.memory_space<vmem>> -> memref<128x128xf32, #tpu.memory_space<vmem>>
        %dma_start3A_263 = arith.constant 0 : i32
        %dma_start3A_264 = tpu.memref_slice %arg7[%mul3A_229, %dma_start3A_263] : memref<16x128xi32, #tpu.memory_space<vmem>> -> memref<1x128xi32, #tpu.memory_space<vmem>>
        %dma_start3A_265 = tpu.memref_squeeze %dma_start3A_264 : memref<1x128xi32, #tpu.memory_space<vmem>> -> memref<128xi32, #tpu.memory_space<vmem>>
        %dma_start3A_266 = arith.constant 0 : i32
        %dma_start3A_267 = arith.constant 0 : i32
        %dma_start3A_268 = tpu.memref_slice %arg9[%dma_start3A_266, %dma_start3A_267] : memref<10240x128xf32, #tpu.memory_space<vmem_shared>> -> memref<10240x128xf32, #tpu.memory_space<vmem_shared>>
        tpu.enqueue_indirect_dma source(%dma_start3A_262 : memref<128x128xf32, #tpu.memory_space<vmem>>) target(%dma_start3A_268 : memref<10240x128xf32, #tpu.memory_space<vmem_shared>>) offsets(%dma_start3A_265 : memref<128xi32, #tpu.memory_space<vmem>>) semaphore(%run_scoped3A : memref<!tpu.dma_semaphore, #tpu.memory_space<semaphore_mem>>) {add = true}
        %dma_wait3A_269 = arith.constant 0 : i32
        %dma_wait3A_270 = tpu.memref_slice %arg8[%multiple_of3A_227, %dma_wait3A_269] : memref<256x128xf32, #tpu.memory_space<vmem>> -> memref<128x128xf32, #tpu.memory_space<vmem>>
        %dma_wait3A_271 = arith.constant 0 : i32
        %dma_wait3A_272 = tpu.memref_slice %arg7[%mul3A_229, %dma_wait3A_271] : memref<16x128xi32, #tpu.memory_space<vmem>> -> memref<1x128xi32, #tpu.memory_space<vmem>>
        %dma_wait3A_273 = tpu.memref_squeeze %dma_wait3A_272 : memref<1x128xi32, #tpu.memory_space<vmem>> -> memref<128xi32, #tpu.memory_space<vmem>>
        %dma_wait3A_274 = arith.constant 0 : i32
        %dma_wait3A_275 = arith.constant 0 : i32
        %dma_wait3A_276 = tpu.memref_slice %arg9[%dma_wait3A_274, %dma_wait3A_275] : memref<10240x128xf32, #tpu.memory_space<vmem_shared>> -> memref<10240x128xf32, #tpu.memory_space<vmem_shared>>
        tpu.wait_indirect_dma semaphore(%run_scoped3A : memref<!tpu.dma_semaphore, #tpu.memory_space<semaphore_mem>>) src(%dma_wait3A_270 : memref<128x128xf32, #tpu.memory_space<vmem>>) dst(%dma_wait3A_276 : memref<10240x128xf32, #tpu.memory_space<vmem_shared>>)
        tpu.yield
      }) : () -> ()
      %add3A_230 = arith.constant 2 : i32
      %add3A_231 = arith.addi %scan3A_158, %add3A_230 : i32
      %min3A_232 = arith.constant 78 : i32
      %min3A_233 = arith.minsi %add3A_231, %min3A_232 : i32
      %mul3A_234 = arith.constant 8 : i32
      %mul3A_235 = arith.muli %select_n3A_167, %mul3A_234 : i32
      %multiple_of3A_236 = tpu.assume_multiple %mul3A_235, 8 : i32
      %dma_start3A_237 = arith.constant 0 : i32
      %dma_start3A_238 = tpu.memref_slice %arg6[%multiple_of3A_236, %dma_start3A_237] : memref<16x128xi32, #tpu.memory_space<vmem>> -> memref<1x128xi32, #tpu.memory_space<vmem>>
      %dma_start3A_239 = arith.constant 0 : i32
      %dma_start3A_240 = arith.constant 0 : i32
      %dma_start3A_241 = tpu.memref_slice %arg2[%add3A, %min3A_233, %dma_start3A_239, %dma_start3A_240] : memref<32x79x1x128xi32, #tpu.memory_space<hbm>> -> memref<1x1x1x128xi32, #tpu.memory_space<hbm>>
      %dma_start3A_242 = tpu.memref_squeeze %dma_start3A_241 : memref<1x1x1x128xi32, #tpu.memory_space<hbm>> -> memref<1x128xi32, #tpu.memory_space<hbm>>
      %dma_start3A_243 = arith.constant 0 : i32
      %dma_start3A_244 = tpu.memref_slice %arg6[%multiple_of3A_236, %dma_start3A_243] : memref<16x128xi32, #tpu.memory_space<vmem>> -> memref<1x128xi32, #tpu.memory_space<vmem>>
      %dma_start3A_245 = arith.constant 0 : i32
      %dma_start3A_246 = arith.constant 0 : i32
      %dma_start3A_247 = tpu.memref_slice %arg2[%add3A, %min3A_233, %dma_start3A_245, %dma_start3A_246] : memref<32x79x1x128xi32, #tpu.memory_space<hbm>> -> memref<1x1x1x128xi32, #tpu.memory_space<hbm>>
      %dma_start3A_248 = tpu.memref_squeeze %dma_start3A_247 : memref<1x1x1x128xi32, #tpu.memory_space<hbm>> -> memref<1x128xi32, #tpu.memory_space<hbm>>
      tpu.enqueue_dma source(%dma_start3A_248 : memref<1x128xi32, #tpu.memory_space<hbm>>) target(%dma_start3A_244 : memref<1x128xi32, #tpu.memory_space<vmem>>) target_semaphore(%arg11 : memref<!tpu.dma_semaphore, #tpu.memory_space<semaphore_mem>>)
      %dma_start3A_249 = arith.constant 0 : i32
      %dma_start3A_250 = tpu.memref_slice %arg7[%multiple_of3A_236, %dma_start3A_249] : memref<16x128xi32, #tpu.memory_space<vmem>> -> memref<1x128xi32, #tpu.memory_space<vmem>>
      %dma_start3A_251 = arith.constant 0 : i32
      %dma_start3A_252 = arith.constant 0 : i32
      %dma_start3A_253 = tpu.memref_slice %arg3[%add3A, %min3A_233, %dma_start3A_251, %dma_start3A_252] : memref<32x79x1x128xi32, #tpu.memory_space<hbm>> -> memref<1x1x1x128xi32, #tpu.memory_space<hbm>>
      %dma_start3A_254 = tpu.memref_squeeze %dma_start3A_253 : memref<1x1x1x128xi32, #tpu.memory_space<hbm>> -> memref<1x128xi32, #tpu.memory_space<hbm>>
      %dma_start3A_255 = arith.constant 0 : i32
      %dma_start3A_256 = tpu.memref_slice %arg7[%multiple_of3A_236, %dma_start3A_255] : memref<16x128xi32, #tpu.memory_space<vmem>> -> memref<1x128xi32, #tpu.memory_space<vmem>>
      %dma_start3A_257 = arith.constant 0 : i32
      %dma_start3A_258 = arith.constant 0 : i32
      %dma_start3A_259 = tpu.memref_slice %arg3[%add3A, %min3A_233, %dma_start3A_257, %dma_start3A_258] : memref<32x79x1x128xi32, #tpu.memory_space<hbm>> -> memref<1x1x1x128xi32, #tpu.memory_space<hbm>>
      %dma_start3A_260 = tpu.memref_squeeze %dma_start3A_259 : memref<1x1x1x128xi32, #tpu.memory_space<hbm>> -> memref<1x128xi32, #tpu.memory_space<hbm>>
      tpu.enqueue_dma source(%dma_start3A_260 : memref<1x128xi32, #tpu.memory_space<hbm>>) target(%dma_start3A_256 : memref<1x128xi32, #tpu.memory_space<vmem>>) target_semaphore(%arg11 : memref<!tpu.dma_semaphore, #tpu.memory_space<semaphore_mem>>)
    }
    %scan3A_113 = arith.constant 79 : i32
    %multiple_of3A_114 = arith.constant 128 : i32
    %multiple_of3A_115 = tpu.assume_multiple %multiple_of3A_114, 8 : i32
    %dma_wait3A_116 = arith.constant 8 : i32
    %dma_wait3A_117 = arith.constant 0 : i32
    %dma_wait3A_118 = tpu.memref_slice %arg8[%multiple_of3A_115, %dma_wait3A_117] : memref<256x128xf32, #tpu.memory_space<vmem>> -> memref<128x128xf32, #tpu.memory_space<vmem>>
    %dma_wait3A_119 = arith.constant 0 : i32
    %dma_wait3A_120 = tpu.memref_slice %arg6[%dma_wait3A_116, %dma_wait3A_119] : memref<16x128xi32, #tpu.memory_space<vmem>> -> memref<1x128xi32, #tpu.memory_space<vmem>>
    %dma_wait3A_121 = tpu.memref_squeeze %dma_wait3A_120 : memref<1x128xi32, #tpu.memory_space<vmem>> -> memref<128xi32, #tpu.memory_space<vmem>>
    %dma_wait3A_122 = arith.constant 0 : i32
    %dma_wait3A_123 = arith.constant 0 : i32
    %dma_wait3A_124 = tpu.memref_slice %arg4[%dma_wait3A_122, %dma_wait3A_123] : memref<10000x128xf32, #tpu.memory_space<hbm>> -> memref<10000x128xf32, #tpu.memory_space<hbm>>
    tpu.wait_indirect_dma semaphore(%arg10 : memref<!tpu.dma_semaphore, #tpu.memory_space<semaphore_mem>>) src(%dma_wait3A_124 : memref<10000x128xf32, #tpu.memory_space<hbm>>) dst(%dma_wait3A_118 : memref<128x128xf32, #tpu.memory_space<vmem>>)
    %multiple_of3A_125 = arith.constant 0 : i32
    %multiple_of3A_126 = tpu.assume_multiple %multiple_of3A_125, 8 : i32
    %dma_wait3A_127 = arith.constant 78 : i32
    %dma_wait3A_128 = arith.constant 0 : i32
    %dma_wait3A_129 = tpu.memref_slice %arg6[%multiple_of3A_126, %dma_wait3A_128] : memref<16x128xi32, #tpu.memory_space<vmem>> -> memref<1x128xi32, #tpu.memory_space<vmem>>
    %dma_wait3A_130 = arith.constant 0 : i32
    %dma_wait3A_131 = arith.constant 0 : i32
    %dma_wait3A_132 = tpu.memref_slice %arg2[%add3A, %dma_wait3A_127, %dma_wait3A_130, %dma_wait3A_131] : memref<32x79x1x128xi32, #tpu.memory_space<hbm>> -> memref<1x1x1x128xi32, #tpu.memory_space<hbm>>
    %dma_wait3A_133 = tpu.memref_squeeze %dma_wait3A_132 : memref<1x1x1x128xi32, #tpu.memory_space<hbm>> -> memref<1x128xi32, #tpu.memory_space<hbm>>
    %dma_wait3A_134 = arith.constant 0 : i32
    %dma_wait3A_135 = tpu.memref_slice %arg6[%multiple_of3A_126, %dma_wait3A_134] : memref<16x128xi32, #tpu.memory_space<vmem>> -> memref<1x128xi32, #tpu.memory_space<vmem>>
    %dma_wait3A_136 = arith.constant 0 : i32
    %dma_wait3A_137 = arith.constant 0 : i32
    %dma_wait3A_138 = tpu.memref_slice %arg2[%add3A, %dma_wait3A_127, %dma_wait3A_136, %dma_wait3A_137] : memref<32x79x1x128xi32, #tpu.memory_space<hbm>> -> memref<1x1x1x128xi32, #tpu.memory_space<hbm>>
    %dma_wait3A_139 = tpu.memref_squeeze %dma_wait3A_138 : memref<1x1x1x128xi32, #tpu.memory_space<hbm>> -> memref<1x128xi32, #tpu.memory_space<hbm>>
    tpu.wait_dma2 semaphore(%arg11 : memref<!tpu.dma_semaphore, #tpu.memory_space<semaphore_mem>>) src(%dma_wait3A_139 : memref<1x128xi32, #tpu.memory_space<hbm>>) dst(%dma_wait3A_135 : memref<1x128xi32, #tpu.memory_space<vmem>>)
    %dma_wait3A_140 = arith.constant 78 : i32
    %dma_wait3A_141 = arith.constant 0 : i32
    %dma_wait3A_142 = tpu.memref_slice %arg7[%multiple_of3A_126, %dma_wait3A_141] : memref<16x128xi32, #tpu.memory_space<vmem>> -> memref<1x128xi32, #tpu.memory_space<vmem>>
    %dma_wait3A_143 = arith.constant 0 : i32
    %dma_wait3A_144 = arith.constant 0 : i32
    %dma_wait3A_145 = tpu.memref_slice %arg3[%add3A, %dma_wait3A_140, %dma_wait3A_143, %dma_wait3A_144] : memref<32x79x1x128xi32, #tpu.memory_space<hbm>> -> memref<1x1x1x128xi32, #tpu.memory_space<hbm>>
    %dma_wait3A_146 = tpu.memref_squeeze %dma_wait3A_145 : memref<1x1x1x128xi32, #tpu.memory_space<hbm>> -> memref<1x128xi32, #tpu.memory_space<hbm>>
    %dma_wait3A_147 = arith.constant 0 : i32
    %dma_wait3A_148 = tpu.memref_slice %arg7[%multiple_of3A_126, %dma_wait3A_147] : memref<16x128xi32, #tpu.memory_space<vmem>> -> memref<1x128xi32, #tpu.memory_space<vmem>>
    %dma_wait3A_149 = arith.constant 0 : i32
    %dma_wait3A_150 = arith.constant 0 : i32
    %dma_wait3A_151 = tpu.memref_slice %arg3[%add3A, %dma_wait3A_140, %dma_wait3A_149, %dma_wait3A_150] : memref<32x79x1x128xi32, #tpu.memory_space<hbm>> -> memref<1x1x1x128xi32, #tpu.memory_space<hbm>>
    %dma_wait3A_152 = tpu.memref_squeeze %dma_wait3A_151 : memref<1x1x1x128xi32, #tpu.memory_space<hbm>> -> memref<1x128xi32, #tpu.memory_space<hbm>>
    tpu.wait_dma2 semaphore(%arg11 : memref<!tpu.dma_semaphore, #tpu.memory_space<semaphore_mem>>) src(%dma_wait3A_152 : memref<1x128xi32, #tpu.memory_space<hbm>>) dst(%dma_wait3A_148 : memref<1x128xi32, #tpu.memory_space<vmem>>)
    %barrier3A_153 = arith.constant 0 : index
    tpu.barrier barrier_id(%barrier3A_153)
    %mul3A_154 = arith.constant 640 : i32
    %mul3A_155 = arith.muli %arg1, %mul3A_154 : i32
    %mul3A_156 = arith.constant 640 : i32
    %mul3A_157 = arith.muli %arg1, %mul3A_156 : i32
    "tpu.region"() ({
      %run_scoped3A = tpu.sem_alloc : memref<!tpu.dma_semaphore, #tpu.memory_space<semaphore_mem>>
      %dma_start3A_158 = arith.constant 0 : i32
      %dma_start3A_159 = tpu.memref_slice %arg5[%arg0, %mul3A_157, %dma_start3A_158] : memref<2x10240x128xf32, #tpu.memory_space<hbm>> -> memref<1x640x128xf32, #tpu.memory_space<hbm>>
      %dma_start3A_160 = tpu.memref_squeeze %dma_start3A_159 : memref<1x640x128xf32, #tpu.memory_space<hbm>> -> memref<640x128xf32, #tpu.memory_space<hbm>>
      %dma_start3A_161 = arith.constant 0 : i32
      %dma_start3A_162 = tpu.memref_slice %arg9[%mul3A_155, %dma_start3A_161] : memref<10240x128xf32, #tpu.memory_space<vmem_shared>> -> memref<640x128xf32, #tpu.memory_space<vmem_shared>>
      tpu.enqueue_dma source(%dma_start3A_162 : memref<640x128xf32, #tpu.memory_space<vmem_shared>>) target(%dma_start3A_160 : memref<640x128xf32, #tpu.memory_space<hbm>>) target_semaphore(%run_scoped3A : memref<!tpu.dma_semaphore, #tpu.memory_space<semaphore_mem>>)
      %dma_wait3A_163 = arith.constant 0 : i32
      %dma_wait3A_164 = tpu.memref_slice %arg5[%arg0, %mul3A_157, %dma_wait3A_163] : memref<2x10240x128xf32, #tpu.memory_space<hbm>> -> memref<1x640x128xf32, #tpu.memory_space<hbm>>
      %dma_wait3A_165 = tpu.memref_squeeze %dma_wait3A_164 : memref<1x640x128xf32, #tpu.memory_space<hbm>> -> memref<640x128xf32, #tpu.memory_space<hbm>>
      %dma_wait3A_166 = arith.constant 0 : i32
      %dma_wait3A_167 = tpu.memref_slice %arg9[%mul3A_155, %dma_wait3A_166] : memref<10240x128xf32, #tpu.memory_space<vmem_shared>> -> memref<640x128xf32, #tpu.memory_space<vmem_shared>>
      tpu.wait_dma2 semaphore(%run_scoped3A : memref<!tpu.dma_semaphore, #tpu.memory_space<semaphore_mem>>) src(%dma_wait3A_167 : memref<640x128xf32, #tpu.memory_space<vmem_shared>>) dst(%dma_wait3A_165 : memref<640x128xf32, #tpu.memory_space<hbm>>)
      tpu.yield
    }) : () -> ()
    return
  }
}

module attributes {stable_mosaic.version = 14 : i64} {
  func.func @_tc_a_body(%arg0: memref<10000x128xf32, #tpu.memory_space<vmem>>, %arg1: memref<128x128xf32, #tpu.memory_space<vmem>>, %arg2: memref<32x10000xf32, #tpu.memory_space<vmem>>, %arg3: memref<10000x128xf32, #tpu.memory_space<vmem>>) attributes {dimension_semantics = [], scalar_prefetch = 0 : i64, scratch_operands = 0 : i64, tpu.core_type = #tpu.core_type<tc>} {
    %get3A = arith.constant 0 : index
    %get3A_0 = arith.constant 0 : index
    %get3A_1 = vector.load %arg2[%get3A, %get3A_0] : memref<32x10000xf32, #tpu.memory_space<vmem>>, vector<32x10000xf32>
    %reduce_sum3A = arith.constant dense<0.000000e+00> : vector<10000xf32>
    %reduce_sum3A_2 = vector.multi_reduction <add>, %get3A_1, %reduce_sum3A [0] : vector<32x10000xf32> to vector<10000xf32>
    %add3A = arith.constant 1.000000e+00 : f32
    %add3A_3 = vector.broadcast %add3A : f32 to vector<10000xf32>
    %add3A_4 = arith.addf %add3A_3, %reduce_sum3A_2 : vector<10000xf32>
    %rsqrt3A = math.rsqrt %add3A_4 : vector<10000xf32>
    %broadcast_in_dim3A = vector.shape_cast %rsqrt3A : vector<10000xf32> to vector<10000x1xf32>
    %get3A_5 = arith.constant 0 : index
    %get3A_6 = arith.constant 0 : index
    %get3A_7 = vector.load %arg0[%get3A_5, %get3A_6] : memref<10000x128xf32, #tpu.memory_space<vmem>>, vector<10000x128xf32>
    %get3A_8 = arith.constant 0 : index
    %get3A_9 = arith.constant 0 : index
    %get3A_10 = vector.load %arg1[%get3A_8, %get3A_9] : memref<128x128xf32, #tpu.memory_space<vmem>>, vector<128x128xf32>
    %dot_general3A = arith.constant dense<0.000000e+00> : vector<10000x128xf32>
    %dot_general3A_11 = tpu.matmul %get3A_7, %get3A_10, %dot_general3A {dimension_numbers = #tpu.dot_dimension_numbers<[1], [0], [0], [1], [0, 0, 1, 1], [], []>, transpose_lhs_hint = false} : vector<10000x128xf32>, vector<128x128xf32>, vector<10000x128xf32> -> vector<10000x128xf32>
    %mul3A = vector.broadcast %broadcast_in_dim3A : vector<10000x1xf32> to vector<10000x128xf32>
    %mul3A_12 = arith.mulf %dot_general3A_11, %mul3A : vector<10000x128xf32>
    %swap3A = arith.constant 0 : index
    %swap3A_13 = arith.constant 0 : index
    %swap3A_14 = vector.load %arg3[%swap3A, %swap3A_13] : memref<10000x128xf32, #tpu.memory_space<vmem>>, vector<10000x128xf32>
    tpu.vector_store %arg3[%swap3A, %swap3A_13], %mul3A_12 {strides = array<i32>} : memref<10000x128xf32, #tpu.memory_space<vmem>>, vector<10000x128xf32>,
    return
  }
}

module attributes {stable_mosaic.version = 14 : i64} {
  func.func @_tc_c_body(%arg0: memref<2x10240x128xf32, #tpu.memory_space<vmem>>, %arg1: memref<10000x128xf32, #tpu.memory_space<vmem>>, %arg2: memref<32x10000xf32, #tpu.memory_space<vmem>>, %arg3: memref<1x128xf32, #tpu.memory_space<vmem>>, %arg4: memref<10000x128xf32, #tpu.memory_space<vmem>>) attributes {dimension_semantics = [], scalar_prefetch = 0 : i64, scratch_operands = 0 : i64, tpu.core_type = #tpu.core_type<tc>} {
    %get3A = arith.constant 0 : index
    %get3A_0 = arith.constant 0 : index
    %get3A_1 = vector.load %arg2[%get3A, %get3A_0] : memref<32x10000xf32, #tpu.memory_space<vmem>>, vector<32x10000xf32>
    %reduce_sum3A = arith.constant dense<0.000000e+00> : vector<10000xf32>
    %reduce_sum3A_2 = vector.multi_reduction <add>, %get3A_1, %reduce_sum3A [0] : vector<32x10000xf32> to vector<10000xf32>
    %add3A = arith.constant 1.000000e+00 : f32
    %add3A_3 = vector.broadcast %add3A : f32 to vector<10000xf32>
    %add3A_4 = arith.addf %add3A_3, %reduce_sum3A_2 : vector<10000xf32>
    %rsqrt3A = math.rsqrt %add3A_4 : vector<10000xf32>
    %broadcast_in_dim3A = vector.shape_cast %rsqrt3A : vector<10000xf32> to vector<10000x1xf32>
    %get3A_5 = arith.constant 0 : index
    %get3A_6 = arith.constant 0 : index
    %get3A_7 = arith.constant 0 : index
    %get3A_8 = vector.load %arg0[%get3A_5, %get3A_6, %get3A_7] : memref<2x10240x128xf32, #tpu.memory_space<vmem>>, vector<1x10000x128xf32>
    %get3A_9 = vector.shape_cast %get3A_8 : vector<1x10000x128xf32> to vector<10000x128xf32>
    %get3A_10 = arith.constant 1 : index
    %get3A_11 = arith.constant 0 : index
    %get3A_12 = arith.constant 0 : index
    %get3A_13 = vector.load %arg0[%get3A_10, %get3A_11, %get3A_12] : memref<2x10240x128xf32, #tpu.memory_space<vmem>>, vector<1x10000x128xf32>
    %get3A_14 = vector.shape_cast %get3A_13 : vector<1x10000x128xf32> to vector<10000x128xf32>
    %add3A_15 = arith.addf %get3A_9, %get3A_14 : vector<10000x128xf32>
    %get3A_16 = arith.constant 0 : index
    %get3A_17 = arith.constant 0 : index
    %get3A_18 = vector.load %arg1[%get3A_16, %get3A_17] : memref<10000x128xf32, #tpu.memory_space<vmem>>, vector<10000x128xf32>
    %add3A_19 = arith.addf %add3A_15, %get3A_18 : vector<10000x128xf32>
    %mul3A = vector.broadcast %broadcast_in_dim3A : vector<10000x1xf32> to vector<10000x128xf32>
    %mul3A_20 = arith.mulf %add3A_19, %mul3A : vector<10000x128xf32>
    %get3A_21 = arith.constant 0 : index
    %get3A_22 = arith.constant 0 : index
    %get3A_23 = vector.load %arg3[%get3A_21, %get3A_22] : memref<1x128xf32, #tpu.memory_space<vmem>>, vector<1x128xf32>
    %add3A_24 = vector.broadcast %get3A_23 : vector<1x128xf32> to vector<10000x128xf32>
    %add3A_25 = arith.addf %mul3A_20, %add3A_24 : vector<10000x128xf32>
    %max3A = arith.constant 0.000000e+00 : f32
    %max3A_26 = vector.broadcast %max3A : f32 to vector<10000x128xf32>
    %max3A_27 = arith.maximumf %add3A_25, %max3A_26 : vector<10000x128xf32>
    %mul3A_28 = vector.broadcast %broadcast_in_dim3A : vector<10000x1xf32> to vector<10000x128xf32>
    %mul3A_29 = arith.mulf %max3A_27, %mul3A_28 : vector<10000x128xf32>
    %swap3A = arith.constant 0 : index
    %swap3A_30 = arith.constant 0 : index
    %swap3A_31 = vector.load %arg4[%swap3A, %swap3A_30] : memref<10000x128xf32, #tpu.memory_space<vmem>>, vector<10000x128xf32>
    tpu.vector_store %arg4[%swap3A, %swap3A_30], %mul3A_29 {strides = array<i32>} : memref<10000x128xf32, #tpu.memory_space<vmem>>, vector<10000x128xf32>,
    return
  }
}

module attributes {stable_mosaic.version = 14 : i64} {
  func.func @_tc_e_body(%arg0: memref<2x10240x128xf32, #tpu.memory_space<vmem>>, %arg1: memref<10000x128xf32, #tpu.memory_space<vmem>>, %arg2: memref<32x10000xf32, #tpu.memory_space<vmem>>, %arg3: memref<128x40xf32, #tpu.memory_space<vmem>>, %arg4: memref<1x40xf32, #tpu.memory_space<vmem>>, %arg5: memref<10000x40xf32, #tpu.memory_space<vmem>>) attributes {dimension_semantics = [], scalar_prefetch = 0 : i64, scratch_operands = 0 : i64, tpu.core_type = #tpu.core_type<tc>} {
    %get3A = arith.constant 0 : index
    %get3A_0 = arith.constant 0 : index
    %get3A_1 = vector.load %arg2[%get3A, %get3A_0] : memref<32x10000xf32, #tpu.memory_space<vmem>>, vector<32x10000xf32>
    %reduce_sum3A = arith.constant dense<0.000000e+00> : vector<10000xf32>
    %reduce_sum3A_2 = vector.multi_reduction <add>, %get3A_1, %reduce_sum3A [0] : vector<32x10000xf32> to vector<10000xf32>
    %add3A = arith.constant 1.000000e+00 : f32
    %add3A_3 = vector.broadcast %add3A : f32 to vector<10000xf32>
    %add3A_4 = arith.addf %add3A_3, %reduce_sum3A_2 : vector<10000xf32>
    %rsqrt3A = math.rsqrt %add3A_4 : vector<10000xf32>
    %broadcast_in_dim3A = vector.shape_cast %rsqrt3A : vector<10000xf32> to vector<10000x1xf32>
    %get3A_5 = arith.constant 0 : index
    %get3A_6 = arith.constant 0 : index
    %get3A_7 = arith.constant 0 : index
    %get3A_8 = vector.load %arg0[%get3A_5, %get3A_6, %get3A_7] : memref<2x10240x128xf32, #tpu.memory_space<vmem>>, vector<1x10000x128xf32>
    %get3A_9 = vector.shape_cast %get3A_8 : vector<1x10000x128xf32> to vector<10000x128xf32>
    %get3A_10 = arith.constant 1 : index
    %get3A_11 = arith.constant 0 : index
    %get3A_12 = arith.constant 0 : index
    %get3A_13 = vector.load %arg0[%get3A_10, %get3A_11, %get3A_12] : memref<2x10240x128xf32, #tpu.memory_space<vmem>>, vector<1x10000x128xf32>
    %get3A_14 = vector.shape_cast %get3A_13 : vector<1x10000x128xf32> to vector<10000x128xf32>
    %add3A_15 = arith.addf %get3A_9, %get3A_14 : vector<10000x128xf32>
    %get3A_16 = arith.constant 0 : index
    %get3A_17 = arith.constant 0 : index
    %get3A_18 = vector.load %arg1[%get3A_16, %get3A_17] : memref<10000x128xf32, #tpu.memory_space<vmem>>, vector<10000x128xf32>
    %add3A_19 = arith.addf %add3A_15, %get3A_18 : vector<10000x128xf32>
    %get3A_20 = arith.constant 0 : index
    %get3A_21 = arith.constant 0 : index
    %get3A_22 = vector.load %arg3[%get3A_20, %get3A_21] : memref<128x40xf32, #tpu.memory_space<vmem>>, vector<128x40xf32>
    %dot_general3A = arith.constant dense<0.000000e+00> : vector<10000x40xf32>
    %dot_general3A_23 = tpu.matmul %add3A_19, %get3A_22, %dot_general3A {dimension_numbers = #tpu.dot_dimension_numbers<[1], [0], [0], [1], [0, 0, 1, 1], [], []>, transpose_lhs_hint = false} : vector<10000x128xf32>, vector<128x40xf32>, vector<10000x40xf32> -> vector<10000x40xf32>
    %mul3A = vector.broadcast %broadcast_in_dim3A : vector<10000x1xf32> to vector<10000x40xf32>
    %mul3A_24 = arith.mulf %dot_general3A_23, %mul3A : vector<10000x40xf32>
    %get3A_25 = arith.constant 0 : index
    %get3A_26 = arith.constant 0 : index
    %get3A_27 = vector.load %arg4[%get3A_25, %get3A_26] : memref<1x40xf32, #tpu.memory_space<vmem>>, vector<1x40xf32>
    %add3A_28 = vector.broadcast %get3A_27 : vector<1x40xf32> to vector<10000x40xf32>
    %add3A_29 = arith.addf %mul3A_24, %add3A_28 : vector<10000x40xf32>
    %reduce_max3A = arith.constant dense<0xFF800000> : vector<10000xf32>
    %reduce_max3A_30 = vector.multi_reduction <maximumf>, %add3A_29, %reduce_max3A [1] : vector<10000x40xf32> to vector<10000xf32>
    %broadcast_in_dim3A_31 = vector.shape_cast %reduce_max3A_30 : vector<10000xf32> to vector<10000x1xf32>
    %sub3A = vector.broadcast %broadcast_in_dim3A_31 : vector<10000x1xf32> to vector<10000x40xf32>
    %sub3A_32 = arith.subf %add3A_29, %sub3A : vector<10000x40xf32>
    %exp3A = math.exp %sub3A_32 : vector<10000x40xf32>
    %reduce_sum3A_33 = arith.constant dense<0.000000e+00> : vector<10000xf32>
    %reduce_sum3A_34 = vector.multi_reduction <add>, %exp3A, %reduce_sum3A_33 [1] : vector<10000x40xf32> to vector<10000xf32>
    %broadcast_in_dim3A_35 = vector.shape_cast %reduce_sum3A_34 : vector<10000xf32> to vector<10000x1xf32>
    %log3A = math.log %broadcast_in_dim3A_35 : vector<10000x1xf32>
    %sub3A_36 = vector.broadcast %broadcast_in_dim3A_31 : vector<10000x1xf32> to vector<10000x40xf32>
    %sub3A_37 = arith.subf %add3A_29, %sub3A_36 : vector<10000x40xf32>
    %sub3A_38 = vector.broadcast %log3A : vector<10000x1xf32> to vector<10000x40xf32>
    %sub3A_39 = arith.subf %sub3A_37, %sub3A_38 : vector<10000x40xf32>
    %swap3A = arith.constant 0 : index
    %swap3A_40 = arith.constant 0 : index
    %swap3A_41 = vector.load %arg5[%swap3A, %swap3A_40] : memref<10000x40xf32, #tpu.memory_space<vmem>>, vector<10000x40xf32>
    tpu.vector_store %arg5[%swap3A, %swap3A_40], %sub3A_39 {strides = array<i32>} : memref<10000x40xf32, #tpu.memory_space<vmem>>, vector<10000x40xf32>,
    return
  }
}

</mosaic_0001>

<sc_bundles>
// kernel: kernel.11.cloned.1.call-start
scs
__scs_entry_jumppad:
0x0: {  	(pc) =	sbr.rel $0x88, $3  }
0x1: {  	(tag) =	ssettag $0x0;
	lr =	simm.s32 $0x1  }
0x2: {  	[smem:$0x3F9B] =	sst lr;
	_ =	strace $0xD0000000  }
0x3: {  	_ = 	snop  }
0x4: {  	_ = 	snop  }
0x5: {  	_ = 	snop  }
0x6: {  	_ = 	snop  }
0x7: {  	_ = 	snop  }
__scs_overlays_trampoline_lowered:
0x8: {  	[smem:$0x3FAA] =	sst s0  }
0x9: {  	[smem:$0x3FAB] =	sst s1  }
0xa: {  	[smem:$0x3FAC] =	sst s2  }
0xb: {  	[smem:$0x3FAD] =	sst s3  }
0xc: {  	[smem:$0x3FAE] =	sst s4  }
0xd: {  	[smem:$0x3FAF] =	sst s5  }
0xe: {  	[smem:$0x3FB0] =	sst s6  }
0xf: {  	[smem:$0x3FB1] =	sst s7  }
0x10: {  	[smem:$0x3FB2] =	sst s8  }
0x11: {  	[smem:$0x3FB3] =	sst s9;
	s0 =	simm.s32 @!p0 $0x0  }
0x12: {  	s1 =	sld [smem:$0x3F99];
	s0 =	simm.s32 @p0 $0x1  }
0x13: {  	[smem:$0x3FB4] =	sst s0;
	s0 =	simm.s32 @!p1 $0x0  }
0x14: {  	s2 =	sld [smem:$0x3F98];
	s0 =	simm.s32 @p1 $0x1  }
0x15: {  	[smem:$0x3FB5] =	sst s0;
	s0 =	simm.s32 @!p2 $0x0  }
0x16: {  	s3 =	sld [smem:$0x3FDB];
	s0 =	simm.s32 @p2 $0x1  }
0x17: {  	s4 =	simm.s32 $0x1BF5;
	[smem:$0x3FB7] =	sst s0  }
0x18: {  	s0 =	sld [smem:$0x3F9A];
	_ =	swait.ge [sflag:s4], $0x0  }
0x19: {  	s7 =	sld [smem:$0x3F9B]  }
0x1a: {  	s8 =	sadd.s32 $0xFFFFE003, lr  }
0x1b: {  	s9 =	sadd.s32 $0xFFFFFEF7, lr;
	s5 =	simm.s32 $0xFFFFFFFF;
	p2 =	slt.u32 s8, $0xFFFFF086  }
0x1c: {  	p1 =	slt.u32 s9, $0xF7A;
	s5 =	simm.s32 @!p2 $0x0  }
0x1d: {  	s5 =	simm.s32 @p1 $0x1;
	p0 =	seq.s32 s7, s2  }
0x1e: {  	s7 =	smul.u32 @!p0 $0xF7A, s2;
	p2 =	seq.s32 @!p0 s5, $0x0  }
0x1f: {  	s9 =	smul.u32 $0xF7A, s1;
	s8 =	simm.s32 @!p0 $0x1BF5;
	p2 =	por !p2, p0  }
0x20: {  	[sflag:s8] =	ssyncset.s32 @!p0 $0xFFFFF086;
	s6 =	sadd.s32 @!p0 s3, s7;
	s7 =	simm.s32 @!p0 $0x108  }
0x21: {  	s3 =	sadd.s32 s3, s9;
	s6 =	sadd.s32 @!p0 $0x88, s6;
	s7 =	simm.s32 @p2 $0x1082  }
0x22: {  	[simem:s7], [sflag:s8] =	dma.local @!p0 [hbm:s6], $0xF7A  }
0x23: {  	s9 =	sor.u32 $0xD0000000, s2;
	s6 =	simm.s32 $0x108;
	_ =	swait.ge @!p0 [sflag:s8], $0x0  }
0x24: {  	s3 =	sadd.s32 $0x88, s3;
	s6 =	simm.s32 @!p1 $0x1082;
	[sflag:s4] =	ssyncset.s32 $0xFFFFF086  }
0x25: {  	[simem:s6], [sflag:s4] =	dma.local [hbm:s3], $0xF7A  }
0x26: {  	[smem:$0x3F9B] =	sst s1;
	(tag) =	ssettag s2;
	_ =	strace s9  }
0x27: {  	s1 =	sld [smem:$0x3FAB]  }
0x28: {  	s2 =	sld [smem:$0x3FAC]  }
0x29: {  	s4 =	sld [smem:$0x3FAE]  }
0x2a: {  	p0 =	seq.s32 s5, $0x0;
	s5 =	sld [smem:$0x3FAF]  }
0x2b: {  	s6 =	sld [smem:$0x3FB0]  }
0x2c: {  	s7 =	sld [smem:$0x3FB1]  }
0x2d: {  	s3 =	simm.s32 $0x108;
	s8 =	sld [smem:$0x3FB2]  }
0x2e: {  	s3 =	simm.s32 @!p0 $0x1082;
	s9 =	sld [smem:$0x3FB3]  }
0x2f: {  	lr =	sadd.s32 s0, s3;
	s0 =	sld [smem:$0x3FAA]  }
0x30: {  	s3 =	sld [smem:$0x3FAD]  }
0x31: {  	[smem:$0x3FB6] =	sst s10  }
0x32: {  	s10 =	sld [smem:$0x3FB4];
	_ =	sdelay $0x3  }
0x33: {  	p0 =	seq.s32 s10, $0x1;
	s10 =	sld [smem:$0x3FB6];
	_ =	sdelay $0x3  }
0x34: {  	[smem:$0x3FB6] =	sst s10  }
0x35: {  	s10 =	sld [smem:$0x3FB5];
	_ =	sdelay $0x3  }
0x36: {  	p1 =	seq.s32 s10, $0x1;
	s10 =	sld [smem:$0x3FB6];
	_ =	sdelay $0x3  }
0x37: {  	[smem:$0x3FB6] =	sst s10  }
0x38: {  	s10 =	sld [smem:$0x3FB7]  }
0x39: {  	_ = 	snop;
	(pc) =	sbr.ind lr, $3  }
0x3a: {  	_ = 	snop  }
0x3b: {  	_ = 	snop  }
0x3c: {  	p2 =	seq.s32 s10, $0x1;
	s10 =	sld [smem:$0x3FB6]  }
0x3d: {  	_ =	shalt  }
0x3e: {  	_ =	shalt  }
0x3f: {  	_ =	shalt  }
0x40: {  	_ =	shalt  }
0x41: {  	_ =	shalt  }
0x42: {  	_ =	shalt  }
0x43: {  	_ =	shalt  }
0x44: {  	_ =	shalt  }
0x45: {  	_ =	shalt  }
0x46: {  	_ =	shalt  }
0x47: {  	_ =	shalt  }
0x48: {  	_ =	shalt  }
0x49: {  	_ =	shalt  }
0x4a: {  	_ =	shalt  }
0x4b: {  	_ =	shalt  }
0x4c: {  	_ =	shalt  }
0x4d: {  	_ =	shalt  }
0x4e: {  	_ =	shalt  }
0x4f: {  	_ =	shalt  }
0x50: {  	_ =	shalt  }
0x51: {  	_ =	shalt  }
0x52: {  	_ =	shalt  }
0x53: {  	_ =	shalt  }
0x54: {  	_ =	shalt  }
0x55: {  	_ =	shalt  }
0x56: {  	_ =	shalt  }
0x57: {  	_ =	shalt  }
0x58: {  	_ =	shalt  }
0x59: {  	_ =	shalt  }
0x5a: {  	_ =	shalt  }
0x5b: {  	_ =	shalt  }
0x5c: {  	_ =	shalt  }
0x5d: {  	_ =	shalt  }
0x5e: {  	_ =	shalt  }
0x5f: {  	_ =	shalt  }
0x60: {  	_ =	shalt  }
0x61: {  	_ =	shalt  }
0x62: {  	_ =	shalt  }
0x63: {  	_ =	shalt  }
0x64: {  	_ =	shalt  }
0x65: {  	_ =	shalt  }
0x66: {  	_ =	shalt  }
0x67: {  	_ =	shalt  }
0x68: {  	_ =	shalt  }
0x69: {  	_ =	shalt  }
0x6a: {  	_ =	shalt  }
0x6b: {  	_ =	shalt  }
0x6c: {  	_ =	shalt  }
0x6d: {  	_ =	shalt  }
0x6e: {  	_ =	shalt  }
0x6f: {  	_ =	shalt  }
0x70: {  	_ =	shalt  }
0x71: {  	_ =	shalt  }
0x72: {  	_ =	shalt  }
0x73: {  	_ =	shalt  }
0x74: {  	_ =	shalt  }
0x75: {  	_ =	shalt  }
0x76: {  	_ =	shalt  }
0x77: {  	_ =	shalt  }
0x78: {  	_ =	shalt  }
0x79: {  	_ =	shalt  }
0x7a: {  	_ =	shalt  }
0x7b: {  	_ =	shalt  }
0x7c: {  	_ =	shalt  }
0x7d: {  	_ =	shalt  }
0x7e: {  	_ =	shalt  }
0x7f: {  	_ =	shalt  }
0x80: {  	_ =	shalt  }
0x81: {  	_ =	shalt  }
0x82: {  	_ =	shalt  }
0x83: {  	_ =	shalt  }
0x84: {  	_ =	shalt  }
0x85: {  	_ =	shalt  }
0x86: {  	_ =	shalt  }
0x87: {  	_ =	shalt  }
.Lfunc_end0:
.L_simem_size_0:
called_computation.1_lowered:
.L_overlay_start_0:
0x88: {  	s2 =	sld [smem:$0x3FD9]  }
0x89: {  	s3 =	sld [smem:$0x3FFE];
	_ =	sdelay $0x1  }
0x8a: {  	s1 =	srdreg.scid  }
0x8b: {  	s0 =	sand.u32 $0x1, s1  }
0x8c: {  	s17 =	sshll.u32 s0, $0xA;
	s2 =	sadd.s32 s3, s2  }
0x8d: {  	s2 =	sadd.s32 s2, s17  }
0x8e: {  	[smem:$0x3FC2] =	sst s2  }
0x8f: {  	_ = 	snop  }
0x90: {  	s2 =	sld [smem:$0x3FD0];
	(tm) =	ssettm $0x1  }
0x91: {  	s18 =	sld [smem:$0x3FFB];
	_ =	sdelay $0x3  }
0x92: {  	_ =	strace s18  }
0x93: {  	s3 =	sld [smem:$0x3FFC];
	_ =	sdelay $0x3  }
0x94: {  	_ =	strace s3  }
0x95: {  	s3 =	sld [smem:$0x3FFD];
	_ =	sdelay $0x3  }
0x96: {  	_ =	strace s3  }
0x97: {  	_ =	strace $0x8FFFFFFF  }
0x98: {  	s19 =	sld [smem:$0x3FDB];
	_ =	sdelay $0x1  }
0x99: {  	s4 =	simm.s32 $_scs_section_size  }
0x9a: {  	s5 =	simm.s32 $_size__tile_overlayer_lowered;
	s6 =	simm.s32 $_tile_overlayer_lowered  }
0x9b: {  	s22 =	simm.s32 $0x1BFF;
	s21 =	sshll.u32 s6, $0x1;
	s3 =	sadd.s32 s4, s19  }
0x9c: {  	s7 =	simm.s32 $0x0;
	s20 =	sshll.u32 s5, $0x1;
	s5 =	sadd.s32 s21, s3  }
0x9d: {  	[timem:s7], [sflag:s22] =	dma.local [hbm:s5], s20  }
0x9e: {  	_ =	swait.ge [sflag:s22], s20  }
0x9f: {  	s4 =	ssub.s32 $0x0, s20;
	[sflag:s22] =	ssyncset.done $0x0  }
0xa0: {  	[sflag:s22] =	ssyncadd.s32 s4;
	_ =	sdelay $0x1  }
0xa1: {  	s23 =	simm.s32 $0x1B8B  }
0xa2: {  	_ =	swait.ge [sflag:s23], $0x1  }
0xa3: {  	[sflag:s23] =	ssyncset.done $0x0  }
0xa4: {  	s25 =	simm.s32 $0x1B8E;
	s24 =	sld [smem:$0x3FFE];
	[sflag:s23] =	ssyncadd.s32 $0xFFFFFFFF  }
0xa5: {  	s26 =	simm.s32 $execute0_lowered;
	[smem:$0x3FD2] =	sst s25  }
0xa6: {  	s5 =	sshll.u32 s26, $0x1;
	_ =	strace $0x80000049;
	[dreg:$0x1] =	wrdreg $0xFFFFFFFF  }
0xa7: {  	s28 =	simm.s32 $_size_execute0_lowered;
	s3 =	sadd.s32 s3, s5;
	[dreg:$0x0] =	wrdreg $0x0  }
0xa8: {  	s5 =	sshll.u32 s28, $0x1;
	[dreg:$0x2] =	wrdreg s3  }
0xa9: {  	[dreg:$0x3] =	wrdreg s5  }
0xaa: {  	[dreg:$0x4] =	wrdreg $0xC0  }
0xab: {  	_ =	task [dreg:s7], $0x5FFFF  }
0xac: {  	[dreg:$0x1] =	wrdreg $0xFFFFFFFF  }
0xad: {  	[dreg:$0x0] =	wrdreg $0x60  }
0xae: {  	[dreg:$0x2] =	wrdreg s2  }
0xaf: {  	[dreg:$0x3] =	wrdreg s24  }
0xb0: {  	[dreg:$0x4] =	wrdreg $0x90000  }
0xb1: {  	[dreg:$0x5] =	wrdreg $0x9  }
0xb2: {  	_ =	task.clear_ibuf [dreg:s7], $0x6FFFF;
	_ =	strace $0x90000049  }
0xb3: {  	s29 =	simm.s32 $0x9;
	_ =	strace $0x8000004B  }
0xb4: {  	_ =	swait.ge [sflag:s29], $0x1  }
0xb5: {  	[sflag:s29] =	ssyncadd.s32 $0xFFFFFFFF  }
0xb6: {  	_ =	strace $0x9000004B  }
0xb7: {  	_ =	sfence  }
0xb8: {  	s30 =	sld [smem:$0x0];
	_ =	sdelay $0x2  }
0xb9: {  	s31 =	sshll.u32 s1, $0xD;
	s1 =	sshrl.u32 s1, $0x2  }
0xba: {  	s3 =	sand.u32 $0x4000, s31;
	s1 =	sadd.s32 s1, s30  }
0xbb: {  	s0 =	sor.u32 s3, s0;
	s1 =	sshll.u32 s1, $0x11  }
0xbc: {  	s0 =	sor.u32 s1, s0  }
0xbd: {  	s0 =	sadd.s32 $0x8F2B, s0  }
0xbe: {  	[sflag:s0] =	ssyncadd.remote.s32 $0x1  }
0xbf: {  	_ =	sfence.sel $0xFFFF  }
0xc0: {  	[dreg:$0x0] =	wrdreg $0xFFFFFFFF;
	(pc) =	sbr.abs _section_cstart, $3  }
0xc1: {  	[dreg:$0x1] =	wrdreg $0xFFFFFFFF  }
0xc2: {  	_ =	task.clear_ibuf [dreg:s7], $0x2FFFF;
	_ =	strace $0x9FFFFFFF  }
0xc3: {  	(tm) =	ssettm $0x7FFFFFFF  }
tec
execute0_lowered:
.L_overlay_start_1:
0x0: {  	(tag) =	ssettag $0x1  }
0x1: {  	s1 =	rddreg [dreg:$0x0]  }
0x2: {  	s7 =	rddreg [dreg:$0x1]  }
0x3: {  	s2 =	rddreg [dreg:$0x2]  }
0x4: {  	s3 =	srdreg.scid;
	s4 =	simm.s32 $0x0;
	s0 =	stileid.u32  }
0x5: {  	s17 =	simm.s32 $0x1000;
	s18 =	simm.s32 $0x3;
	s19 =	simm.s32 $0x800  }
0x6: {  	s20 =	simm.s32 $0x2;
	s21 =	simm.s32 $0x80;
	s22 =	simm.s32 $0x400  }
0x7: {  	s23 =	simm.s32 $0xC00;
	s24 =	simm.s32 $0x1;
	s25 =	simm.s32 $0x0  }
0x8: {  	s8 =	sand.u32 $0x1, s3;
	[smem:$0x7FF] =	sst s4;
	s9 =	smul.u32 $0x14000, s0  }
0x9: {  	s5 =	sadd.s32 $0x16400, s7;
	s10 =	sshll.u32 s0, $0x1;
	s11 =	smul.u32 $0x50000, s0  }
0xa: {  	s6 =	smul.u32 $0x140000, s8;
	_ =	strace $0x8000004A;
	s10 =	sor.u32 s8, s10  }
0xb: {  	s8 =	ssub.s32 $0x2, s8;
	s11 =	sshrl.u32 s11, $0x2;
	s14 =	smul.u32 $0x2780, s10  }
0xc: {  	s30 =	sshrl.u32 s8, $0x1;
	s9 =	sadd.s32 s9, s6;
	s6 =	sadd.s32 $0x20200, s7  }
0xd: {  	s16 =	ssub.s32 s8, s30;
	s9 =	sshrl.u32 s9, $0x3;
	s31 =	sshrl.u32 s14, $0x3  }
0xe: {  	s14 =	sadd.s32 $0x100, s14;
	s16 =	smax.u32 s16, $0x1;
	s15 =	sadd.s32 s9, s7  }
0xf: {  	s7 =	sadd.s32 s11, s2;
	s10 =	sadd.s32 s1, s31;
	s13 =	sadd.s32 $0x10, s31  }
0x10: {  	s11 =	sadd.s32 s5, s31;
	s8 =	sadd.s32 $0x8000, s7;
	s9 =	sadd.s32 $0x10000, s7  }
0x11: {  	v0 =	vimm.f32 $0.0e+00;
	s12 =	sadd.s32 s1, s13;
	s13 =	sadd.s32 s5, s13;
	s15 =	sadd.s32 $0x47400, s15  }
.LBB2_1:
0x12: {  	s26 =	simm.s32 $0x0;
	s28 =	simm.s32 $0x200  }
.LBB2_2:
0x13: {  	p0 =	sne.s32 s28, $0x1FE00;
	[tilespmem:s26+$0x1070] =	vst v0  }
0x14: {  	[tilespmem:s26+$0x1000] =	vst v0  }
0x15: {  	[tilespmem:s26+$0x1010] =	vst v0  }
.Ltmp0:
0x16: {  	[tilespmem:s26+$0x1020] =	vst v0;
	(pc) =	sbr.rel @p0 .LBB2_2-.Ltmp0, $4  }
0x17: {  	[tilespmem:s26+$0x1030] =	vst v0  }
0x18: {  	[tilespmem:s26+$0x1040] =	vst v0  }
0x19: {  	[tilespmem:s26+$0x1050] =	vst v0  }
0x1a: {  	[tilespmem:s26+$0x1060] =	vst v0;
	s26 =	sshra.s32 s28, $0x2;
	s28 =	sadd.s32 $0x200, s28  }
0x1b: {  	[tilespmem:s26+$0x1070] =	vst v0  }
0x1c: {  	[tilespmem:s26+$0x1000] =	vst v0  }
0x1d: {  	[tilespmem:s26+$0x1010] =	vst v0  }
0x1e: {  	[tilespmem:s26+$0x1020] =	vst v0  }
0x1f: {  	[tilespmem:s26+$0x1030] =	vst v0  }
0x20: {  	[tilespmem:s26+$0x1040] =	vst v0  }
0x21: {  	[tilespmem:s26+$0x1050] =	vst v0  }
0x22: {  	[tilespmem:s26+$0x1060] =	vst v0  }
0x23: {  	[spmem:s7] =	stream.linear.scatter [tilespmem:s17], [sflag:$0x3], $0x8000, $0x38;
	[tilespmem:$0x1D000] =	vst v63  }
0x24: {  	_ =	swait.ge [sflag:s18], $0x8000  }
0x25: {  	[sflag:s18] =	ssyncset.done $0x0  }
0x26: {  	[sflag:s18] =	ssyncadd.s32 $0xFFFF8000  }
0x27: {  	[spmem:s8] =	stream.linear.scatter [tilespmem:s17], [sflag:$0x3], $0x8000, $0x38;
	[tilespmem:$0x1D000] =	vst v63  }
0x28: {  	_ =	swait.ge [sflag:s18], $0x8000  }
0x29: {  	[sflag:s18] =	ssyncset.done $0x0  }
0x2a: {  	[sflag:s18] =	ssyncadd.s32 $0xFFFF8000  }
0x2b: {  	[spmem:s9] =	stream.linear.scatter [tilespmem:s17], [sflag:$0x3], $0x4000, $0x38;
	[tilespmem:$0x1D000] =	vst v63  }
0x2c: {  	_ =	swait.ge [sflag:s18], $0x4000  }
0x2d: {  	[sflag:s18] =	ssyncset.done $0x0  }
0x2e: {  	[sflag:s18] =	ssyncadd.s32 $0xFFFFC000  }
0x2f: {  	s3 =	simm.s32 $0x0;
	[bflag:$0x0] =	sbarrier.arrive $0xFFFF  }
0x30: {  	[tilespmem:s3], [sflag:$0x2] =	stream.linear.gather [hbm4b:s10+s3], $0x80, $0x38;
	[tilespmem:$0x1D000] =	vst v63  }
0x31: {  	_ = 	snop  }
0x32: {  	[tilespmem:s19], [sflag:$0x2] =	stream.linear.gather [hbm4b:s11+s3], $0x80, $0x38;
	[tilespmem:$0x1D000] =	vst v63  }
0x33: {  	_ =	swait.ge [sflag:s20], $0x80  }
0x34: {  	[sflag:s20] =	ssyncset.done $0x0  }
0x35: {  	[sflag:s20] =	ssyncadd.s32 $0xFFFFFF80  }
0x36: {  	_ =	swait.ge [sflag:s20], $0x80  }
0x37: {  	[sflag:s20] =	ssyncset.done $0x0  }
0x38: {  	[sflag:s20] =	ssyncadd.s32 $0xFFFFFF80  }
0x39: {  	[tilespmem:s17], [sflag:$0x1] =	stream.indirect.gather [hbm4b:s6+s21], $0x80, s3, s21, $0xb8;
	[tilespmem:$0x1D000] =	vst v63  }
0x3a: {  	_ = 	snop  }
0x3b: {  	[tilespmem:s22], [sflag:$0x2] =	stream.linear.gather [hbm4b:s12+s3], $0x80, $0x38;
	[tilespmem:$0x1D000] =	vst v63  }
0x3c: {  	_ = 	snop  }
0x3d: {  	[tilespmem:s23], [sflag:$0x2] =	stream.linear.gather [hbm4b:s13+s3], $0x80, $0x38;
	[tilespmem:$0x1D000] =	vst v63  }
0x3e: {  	_ =	swait.ge [sflag:s24], $0x4000  }
0x3f: {  	[sflag:s24] =	ssyncset.done $0x0  }
0x40: {  	[sflag:s24] =	ssyncadd.s32 $0xFFFFC000  }
0x41: {  	_ =	swait.ge [sflag:s20], $0x80  }
0x42: {  	[sflag:s20] =	ssyncset.done $0x0  }
0x43: {  	s28 =	sand.u32 $0x1, s3;
	[sflag:s20] =	ssyncadd.s32 $0xFFFFFF80  }
0x44: {  	s29 =	sxor.u32 $0x1, s28;
	_ =	swait.ge [sflag:s20], $0x80  }
0x45: {  	s30 =	sshll.u32 s29, $0xE;
	[sflag:s20] =	ssyncset.done $0x0  }
0x46: {  	s29 =	sshll.u32 s29, $0xA;
	s30 =	sor.u32 $0x1000, s30;
	[sflag:s20] =	ssyncadd.s32 $0xFFFFFF80  }
0x47: {  	[tilespmem:s30], [sflag:$0x1] =	stream.indirect.gather [hbm4b:s6+s21], $0x80, s29, s21, $0xb8;
	[tilespmem:$0x1D000] =	vst v63  }
0x48: {  	s26 =	smin.u32 s3, $0x4C;
	s31 =	sshll.u32 s28, $0xA;
	s29 =	sshll.u32 s28, $0xE  }
0x49: {  	s26 =	sshll.u32 s26, $0x7;
	s28 =	sor.u32 $0x800, s31;
	s29 =	sor.u32 $0x1000, s29  }
0x4a: {  	[spmem:s2] =	stream.indirect.scatter.add.f32 [tilespmem:s29], [sflag:$0x3], $0x80, s28, s21, $0xb8;
	[tilespmem:$0x1D000] =	vst v63  }
0x4b: {  	s26 =	sadd.s32 s26, s14;
	_ =	swait.ge [sflag:s18], $0x4000  }
0x4c: {  	s29 =	sshrl.u32 s26, $0x3;
	[sflag:s18] =	ssyncset.done $0x0  }
0x4d: {  	s26 =	sadd.s32 s1, s29;
	[sflag:s18] =	ssyncadd.s32 $0xFFFFC000  }
0x4e: {  	[tilespmem:s31], [sflag:$0x2] =	stream.linear.gather [hbm4b:s26+s4], $0x80, $0x38;
	[tilespmem:$0x1D000] =	vst v63  }
0x4f: {  	s29 =	sadd.s32 s5, s29;
	s26 =	simm.s32 $0x1  }
.LBB2_4:
0x50: {  	p0 =	sne.s32 s26, $0x4E;
	s30 =	smov.u32 s26;
	s26 =	sadd.s32 $0x1, s26  }
0x51: {  	[tilespmem:s28], [sflag:$0x2] =	stream.linear.gather [hbm4b:s29+s4], $0x80, $0x38;
	[tilespmem:$0x1D000] =	vst v63  }
0x52: {  	_ =	swait.ge [sflag:s24], $0x4000  }
0x53: {  	[sflag:s24] =	ssyncset.done $0x0  }
0x54: {  	[sflag:s24] =	ssyncadd.s32 $0xFFFFC000  }
0x55: {  	_ =	swait.ge [sflag:s20], $0x80  }
0x56: {  	[sflag:s20] =	ssyncset.done $0x0  }
0x57: {  	s28 =	sand.u32 $0x1, s30;
	[sflag:s20] =	ssyncadd.s32 $0xFFFFFF80  }
0x58: {  	s29 =	sxor.u32 $0x1, s28;
	s31 =	sshll.u32 s28, $0xE;
	_ =	swait.ge [sflag:s20], $0x80  }
0x59: {  	s3 =	sshll.u32 s28, $0xA;
	s0 =	sshll.u32 s29, $0xE;
	[sflag:s20] =	ssyncset.done $0x0  }
0x5a: {  	s28 =	sshll.u32 s29, $0xA;
	s0 =	sor.u32 $0x1000, s0;
	[sflag:s20] =	ssyncadd.s32 $0xFFFFFF80  }
0x5b: {  	[tilespmem:s0], [sflag:$0x1] =	stream.indirect.gather [hbm4b:s6+s21], $0x80, s28, s21, $0xb8;
	[tilespmem:$0x1D000] =	vst v63  }
0x5c: {  	s29 =	smin.u32 s30, $0x4C;
	s0 =	sor.u32 $0x1000, s31;
	s28 =	sor.u32 $0x800, s3  }
0x5d: {  	[spmem:s2] =	stream.indirect.scatter.add.f32 [tilespmem:s0], [sflag:$0x3], $0x80, s28, s21, $0xb8;
	[tilespmem:$0x1D000] =	vst v63  }
.Ltmp1:
0x5e: {  	s0 =	sshll.u32 s29, $0x7;
	_ =	swait.ge [sflag:s18], $0x4000;
	(pc) =	sbr.rel @p0 .LBB2_4-.Ltmp1, $4  }
0x5f: {  	s0 =	sadd.s32 s0, s14;
	[sflag:s18] =	ssyncset.done $0x0  }
0x60: {  	s0 =	sshrl.u32 s0, $0x3;
	[sflag:s18] =	ssyncadd.s32 $0xFFFFC000  }
0x61: {  	s30 =	sadd.s32 s1, s0;
	s29 =	sadd.s32 s5, s0  }
0x62: {  	[tilespmem:s3], [sflag:$0x2] =	stream.linear.gather [hbm4b:s30+s4], $0x80, $0x38;
	[tilespmem:$0x1D000] =	vst v63  }
0x63: {  	[tilespmem:s28], [sflag:$0x2] =	stream.linear.gather [hbm4b:s29+s4], $0x80, $0x38;
	[tilespmem:$0x1D000] =	vst v63  }
0x64: {  	_ =	swait.ge [sflag:s24], $0x4000  }
0x65: {  	[sflag:s24] =	ssyncset.done $0x0  }
0x66: {  	[sflag:s24] =	ssyncadd.s32 $0xFFFFC000  }
0x67: {  	_ =	swait.ge [sflag:s20], $0x80  }
0x68: {  	[sflag:s20] =	ssyncset.done $0x0  }
0x69: {  	[sflag:s20] =	ssyncadd.s32 $0xFFFFFF80  }
0x6a: {  	s0 =	stileid.u32;
	_ =	swait.ge [sflag:s20], $0x80  }
0x6b: {  	s3 =	sshrl.u32 s7, $0x3;
	s25 =	sadd.s32 $0x1, s25;
	[sflag:s20] =	ssyncset.done $0x0  }
0x6c: {  	s0 =	sshll.u32 s0, $0x6;
	p0 =	sne.s32 s25, s16;
	[sflag:s20] =	ssyncadd.s32 $0xFFFFFF80  }
.Ltmp2:
0x6d: {  	s0 =	sor.u32 $0x1C03, s0;
	[bflag:$0x0] =	sbarrier.arrive $0xFFFF;
	(pc) =	sbr.rel @p0 .LBB2_1-.Ltmp2, $4  }
0x6e: {  	[hbm:s15], [sflag:s0] =	dma.local [spmem:s3], $0x2800  }
0x6f: {  	_ =	swait.ge [sflag:s18], $0x2800  }
0x70: {  	[sflag:s18] =	ssyncset.done $0x0  }
0x71: {  	[sflag:s18] =	ssyncadd.s32 $0xFFFFD800  }
0x72: {  	_ =	sfence.sel $0x180000  }
0x73: {  	[bflag:$0x0] =	sbarrier.arrive $0xFFFF  }
0x74: {  	_ =	strace $0x9000004A  }
0x75: {  	s0 =	stileid.u32;
	[bflag:$0x2] =	sbarrier.arrive $0xFFFF  }
0x76: {  	p0 =	sne.s32 s0, $0x0;
	s0 =	rddreg [dreg:$0x3]  }
0x77: {  	s0 =	sadd.s32 @!p0 $0x100000, s0  }
0x78: {  	[sflag:s0] =	ssyncadd.tile.s32 @!p0 $0x1;
	_ =	shalt  }
.Lfunc_end2:
_tile_overlayer_lowered:
.L_overlay_start_2:
0x79: {  	(tag) =	ssettag $0x2  }
0x7a: {  	s0 =	rddreg [dreg:$0x0];
	s2 =	stileid.u32  }
0x7b: {  	s1 =	rddreg [dreg:$0x1];
	p0 =	sne.s32 s2, $0x0  }
0x7c: {  	s3 =	rddreg [dreg:$0x2];
	[bflag:$0x3] =	sbarrier.arrive $0xFFFF;
	s2 =	simm.s32 @!p0 $0x1C03  }
0x7d: {  	[timem:s3], [sflag:s2] =	dma.local @!p0 [hbm:s0], s1  }
0x7e: {  	s0 =	simm.s32 @!p0 $0x3  }
0x7f: {  	_ =	swait.ge @!p0 [sflag:s0], s1  }
0x80: {  	s1 =	ssub.s32 @!p0 $0x0, s1;
	[sflag:s0] =	ssyncset.done @!p0 $0x0  }
0x81: {  	[sflag:s0] =	ssyncadd.s32 @!p0 s1  }
0x82: {  	[bflag:$0x3] =	sbarrier.arrive $0xFFFF  }
0x83: {  	_ =	shalt  }

// kernel: kernel.14.cloned.1.call-start
scs
__scs_entry_jumppad:
0x0: {  	(pc) =	sbr.rel $0x88, $3  }
0x1: {  	(tag) =	ssettag $0x0;
	lr =	simm.s32 $0x1  }
0x2: {  	[smem:$0x3F9B] =	sst lr;
	_ =	strace $0xD0000000  }
0x3: {  	_ = 	snop  }
0x4: {  	_ = 	snop  }
0x5: {  	_ = 	snop  }
0x6: {  	_ = 	snop  }
0x7: {  	_ = 	snop  }
__scs_overlays_trampoline_lowered:
0x8: {  	[smem:$0x3FAA] =	sst s0  }
0x9: {  	[smem:$0x3FAB] =	sst s1  }
0xa: {  	[smem:$0x3FAC] =	sst s2  }
0xb: {  	[smem:$0x3FAD] =	sst s3  }
0xc: {  	[smem:$0x3FAE] =	sst s4  }
0xd: {  	[smem:$0x3FAF] =	sst s5  }
0xe: {  	[smem:$0x3FB0] =	sst s6  }
0xf: {  	[smem:$0x3FB1] =	sst s7  }
0x10: {  	[smem:$0x3FB2] =	sst s8  }
0x11: {  	[smem:$0x3FB3] =	sst s9;
	s0 =	simm.s32 @!p0 $0x0  }
0x12: {  	s1 =	sld [smem:$0x3F99];
	s0 =	simm.s32 @p0 $0x1  }
0x13: {  	[smem:$0x3FB4] =	sst s0;
	s0 =	simm.s32 @!p1 $0x0  }
0x14: {  	s2 =	sld [smem:$0x3F98];
	s0 =	simm.s32 @p1 $0x1  }
0x15: {  	[smem:$0x3FB5] =	sst s0;
	s0 =	simm.s32 @!p2 $0x0  }
0x16: {  	s3 =	sld [smem:$0x3FDB];
	s0 =	simm.s32 @p2 $0x1  }
0x17: {  	s4 =	simm.s32 $0x1BF5;
	[smem:$0x3FB7] =	sst s0  }
0x18: {  	s0 =	sld [smem:$0x3F9A];
	_ =	swait.ge [sflag:s4], $0x0  }
0x19: {  	s7 =	sld [smem:$0x3F9B]  }
0x1a: {  	s8 =	sadd.s32 $0xFFFFE003, lr  }
0x1b: {  	s9 =	sadd.s32 $0xFFFFFEF7, lr;
	s5 =	simm.s32 $0xFFFFFFFF;
	p2 =	slt.u32 s8, $0xFFFFF086  }
0x1c: {  	p1 =	slt.u32 s9, $0xF7A;
	s5 =	simm.s32 @!p2 $0x0  }
0x1d: {  	s5 =	simm.s32 @p1 $0x1;
	p0 =	seq.s32 s7, s2  }
0x1e: {  	s7 =	smul.u32 @!p0 $0xF7A, s2;
	p2 =	seq.s32 @!p0 s5, $0x0  }
0x1f: {  	s9 =	smul.u32 $0xF7A, s1;
	s8 =	simm.s32 @!p0 $0x1BF5;
	p2 =	por !p2, p0  }
0x20: {  	[sflag:s8] =	ssyncset.s32 @!p0 $0xFFFFF086;
	s6 =	sadd.s32 @!p0 s3, s7;
	s7 =	simm.s32 @!p0 $0x108  }
0x21: {  	s3 =	sadd.s32 s3, s9;
	s6 =	sadd.s32 @!p0 $0x88, s6;
	s7 =	simm.s32 @p2 $0x1082  }
0x22: {  	[simem:s7], [sflag:s8] =	dma.local @!p0 [hbm:s6], $0xF7A  }
0x23: {  	s9 =	sor.u32 $0xD0000000, s2;
	s6 =	simm.s32 $0x108;
	_ =	swait.ge @!p0 [sflag:s8], $0x0  }
0x24: {  	s3 =	sadd.s32 $0x88, s3;
	s6 =	simm.s32 @!p1 $0x1082;
	[sflag:s4] =	ssyncset.s32 $0xFFFFF086  }
0x25: {  	[simem:s6], [sflag:s4] =	dma.local [hbm:s3], $0xF7A  }
0x26: {  	[smem:$0x3F9B] =	sst s1;
	(tag) =	ssettag s2;
	_ =	strace s9  }
0x27: {  	s1 =	sld [smem:$0x3FAB]  }
0x28: {  	s2 =	sld [smem:$0x3FAC]  }
0x29: {  	s4 =	sld [smem:$0x3FAE]  }
0x2a: {  	p0 =	seq.s32 s5, $0x0;
	s5 =	sld [smem:$0x3FAF]  }
0x2b: {  	s6 =	sld [smem:$0x3FB0]  }
0x2c: {  	s7 =	sld [smem:$0x3FB1]  }
0x2d: {  	s3 =	simm.s32 $0x108;
	s8 =	sld [smem:$0x3FB2]  }
0x2e: {  	s3 =	simm.s32 @!p0 $0x1082;
	s9 =	sld [smem:$0x3FB3]  }
0x2f: {  	lr =	sadd.s32 s0, s3;
	s0 =	sld [smem:$0x3FAA]  }
0x30: {  	s3 =	sld [smem:$0x3FAD]  }
0x31: {  	[smem:$0x3FB6] =	sst s10  }
0x32: {  	s10 =	sld [smem:$0x3FB4];
	_ =	sdelay $0x3  }
0x33: {  	p0 =	seq.s32 s10, $0x1;
	s10 =	sld [smem:$0x3FB6];
	_ =	sdelay $0x3  }
0x34: {  	[smem:$0x3FB6] =	sst s10  }
0x35: {  	s10 =	sld [smem:$0x3FB5];
	_ =	sdelay $0x3  }
0x36: {  	p1 =	seq.s32 s10, $0x1;
	s10 =	sld [smem:$0x3FB6];
	_ =	sdelay $0x3  }
0x37: {  	[smem:$0x3FB6] =	sst s10  }
0x38: {  	s10 =	sld [smem:$0x3FB7]  }
0x39: {  	_ = 	snop;
	(pc) =	sbr.ind lr, $3  }
0x3a: {  	_ = 	snop  }
0x3b: {  	_ = 	snop  }
0x3c: {  	p2 =	seq.s32 s10, $0x1;
	s10 =	sld [smem:$0x3FB6]  }
0x3d: {  	_ =	shalt  }
0x3e: {  	_ =	shalt  }
0x3f: {  	_ =	shalt  }
0x40: {  	_ =	shalt  }
0x41: {  	_ =	shalt  }
0x42: {  	_ =	shalt  }
0x43: {  	_ =	shalt  }
0x44: {  	_ =	shalt  }
0x45: {  	_ =	shalt  }
0x46: {  	_ =	shalt  }
0x47: {  	_ =	shalt  }
0x48: {  	_ =	shalt  }
0x49: {  	_ =	shalt  }
0x4a: {  	_ =	shalt  }
0x4b: {  	_ =	shalt  }
0x4c: {  	_ =	shalt  }
0x4d: {  	_ =	shalt  }
0x4e: {  	_ =	shalt  }
0x4f: {  	_ =	shalt  }
0x50: {  	_ =	shalt  }
0x51: {  	_ =	shalt  }
0x52: {  	_ =	shalt  }
0x53: {  	_ =	shalt  }
0x54: {  	_ =	shalt  }
0x55: {  	_ =	shalt  }
0x56: {  	_ =	shalt  }
0x57: {  	_ =	shalt  }
0x58: {  	_ =	shalt  }
0x59: {  	_ =	shalt  }
0x5a: {  	_ =	shalt  }
0x5b: {  	_ =	shalt  }
0x5c: {  	_ =	shalt  }
0x5d: {  	_ =	shalt  }
0x5e: {  	_ =	shalt  }
0x5f: {  	_ =	shalt  }
0x60: {  	_ =	shalt  }
0x61: {  	_ =	shalt  }
0x62: {  	_ =	shalt  }
0x63: {  	_ =	shalt  }
0x64: {  	_ =	shalt  }
0x65: {  	_ =	shalt  }
0x66: {  	_ =	shalt  }
0x67: {  	_ =	shalt  }
0x68: {  	_ =	shalt  }
0x69: {  	_ =	shalt  }
0x6a: {  	_ =	shalt  }
0x6b: {  	_ =	shalt  }
0x6c: {  	_ =	shalt  }
0x6d: {  	_ =	shalt  }
0x6e: {  	_ =	shalt  }
0x6f: {  	_ =	shalt  }
0x70: {  	_ =	shalt  }
0x71: {  	_ =	shalt  }
0x72: {  	_ =	shalt  }
0x73: {  	_ =	shalt  }
0x74: {  	_ =	shalt  }
0x75: {  	_ =	shalt  }
0x76: {  	_ =	shalt  }
0x77: {  	_ =	shalt  }
0x78: {  	_ =	shalt  }
0x79: {  	_ =	shalt  }
0x7a: {  	_ =	shalt  }
0x7b: {  	_ =	shalt  }
0x7c: {  	_ =	shalt  }
0x7d: {  	_ =	shalt  }
0x7e: {  	_ =	shalt  }
0x7f: {  	_ =	shalt  }
0x80: {  	_ =	shalt  }
0x81: {  	_ =	shalt  }
0x82: {  	_ =	shalt  }
0x83: {  	_ =	shalt  }
0x84: {  	_ =	shalt  }
0x85: {  	_ =	shalt  }
0x86: {  	_ =	shalt  }
0x87: {  	_ =	shalt  }
.Lfunc_end0:
.L_simem_size_0:
called_computation.2_lowered:
.L_overlay_start_0:
0x88: {  	s2 =	sld [smem:$0x3FD9]  }
0x89: {  	s3 =	sld [smem:$0x3FFE];
	_ =	sdelay $0x1  }
0x8a: {  	s1 =	srdreg.scid  }
0x8b: {  	s0 =	sand.u32 $0x1, s1  }
0x8c: {  	s17 =	sshll.u32 s0, $0xA;
	s2 =	sadd.s32 s3, s2  }
0x8d: {  	s2 =	sadd.s32 s2, s17  }
0x8e: {  	[smem:$0x3FC2] =	sst s2  }
0x8f: {  	_ = 	snop  }
0x90: {  	s2 =	sld [smem:$0x3FD0];
	(tm) =	ssettm $0x1  }
0x91: {  	s18 =	sld [smem:$0x3FFB];
	_ =	sdelay $0x3  }
0x92: {  	_ =	strace s18  }
0x93: {  	s3 =	sld [smem:$0x3FFC];
	_ =	sdelay $0x3  }
0x94: {  	_ =	strace s3  }
0x95: {  	s3 =	sld [smem:$0x3FFD];
	_ =	sdelay $0x3  }
0x96: {  	_ =	strace s3  }
0x97: {  	_ =	strace $0x8FFFFFFF  }
0x98: {  	s19 =	sld [smem:$0x3FDB];
	_ =	sdelay $0x1  }
0x99: {  	s4 =	simm.s32 $_scs_section_size  }
0x9a: {  	s5 =	simm.s32 $_size__tile_overlayer_lowered;
	s6 =	simm.s32 $_tile_overlayer_lowered  }
0x9b: {  	s22 =	simm.s32 $0x1BFF;
	s21 =	sshll.u32 s6, $0x1;
	s3 =	sadd.s32 s4, s19  }
0x9c: {  	s7 =	simm.s32 $0x0;
	s20 =	sshll.u32 s5, $0x1;
	s5 =	sadd.s32 s21, s3  }
0x9d: {  	[timem:s7], [sflag:s22] =	dma.local [hbm:s5], s20  }
0x9e: {  	_ =	swait.ge [sflag:s22], s20  }
0x9f: {  	s4 =	ssub.s32 $0x0, s20;
	[sflag:s22] =	ssyncset.done $0x0  }
0xa0: {  	[sflag:s22] =	ssyncadd.s32 s4;
	_ =	sdelay $0x1  }
0xa1: {  	s23 =	simm.s32 $0x1B8B  }
0xa2: {  	_ =	swait.ge [sflag:s23], $0x1  }
0xa3: {  	[sflag:s23] =	ssyncset.done $0x0  }
0xa4: {  	s25 =	simm.s32 $0x1B8E;
	s24 =	sld [smem:$0x3FFE];
	[sflag:s23] =	ssyncadd.s32 $0xFFFFFFFF  }
0xa5: {  	s26 =	simm.s32 $execute0_lowered;
	[smem:$0x3FD2] =	sst s25  }
0xa6: {  	s5 =	sshll.u32 s26, $0x1;
	_ =	strace $0x8000004C;
	[dreg:$0x1] =	wrdreg $0xFFFFFFFF  }
0xa7: {  	s28 =	simm.s32 $_size_execute0_lowered;
	s3 =	sadd.s32 s3, s5;
	[dreg:$0x0] =	wrdreg $0x0  }
0xa8: {  	s5 =	sshll.u32 s28, $0x1;
	[dreg:$0x2] =	wrdreg s3  }
0xa9: {  	[dreg:$0x3] =	wrdreg s5  }
0xaa: {  	[dreg:$0x4] =	wrdreg $0xC0  }
0xab: {  	_ =	task [dreg:s7], $0x5FFFF  }
0xac: {  	[dreg:$0x1] =	wrdreg $0xFFFFFFFF  }
0xad: {  	[dreg:$0x0] =	wrdreg $0x60  }
0xae: {  	[dreg:$0x2] =	wrdreg s2  }
0xaf: {  	[dreg:$0x3] =	wrdreg s24  }
0xb0: {  	[dreg:$0x4] =	wrdreg $0x90000  }
0xb1: {  	[dreg:$0x5] =	wrdreg $0x9  }
0xb2: {  	_ =	task.clear_ibuf [dreg:s7], $0x6FFFF;
	_ =	strace $0x9000004C  }
0xb3: {  	s29 =	simm.s32 $0x9;
	_ =	strace $0x8000004E  }
0xb4: {  	_ =	swait.ge [sflag:s29], $0x1  }
0xb5: {  	[sflag:s29] =	ssyncadd.s32 $0xFFFFFFFF  }
0xb6: {  	_ =	strace $0x9000004E  }
0xb7: {  	_ =	sfence  }
0xb8: {  	s30 =	sld [smem:$0x0];
	_ =	sdelay $0x2  }
0xb9: {  	s31 =	sshll.u32 s1, $0xD;
	s1 =	sshrl.u32 s1, $0x2  }
0xba: {  	s3 =	sand.u32 $0x4000, s31;
	s1 =	sadd.s32 s1, s30  }
0xbb: {  	s0 =	sor.u32 s3, s0;
	s1 =	sshll.u32 s1, $0x11  }
0xbc: {  	s0 =	sor.u32 s1, s0  }
0xbd: {  	s0 =	sadd.s32 $0x8F2B, s0  }
0xbe: {  	[sflag:s0] =	ssyncadd.remote.s32 $0x1  }
0xbf: {  	_ =	sfence.sel $0xFFFF  }
0xc0: {  	[dreg:$0x0] =	wrdreg $0xFFFFFFFF;
	(pc) =	sbr.abs _section_cstart, $3  }
0xc1: {  	[dreg:$0x1] =	wrdreg $0xFFFFFFFF  }
0xc2: {  	_ =	task.clear_ibuf [dreg:s7], $0x2FFFF;
	_ =	strace $0x9FFFFFFF  }
0xc3: {  	(tm) =	ssettm $0x7FFFFFFF  }
tec
execute0_lowered:
.L_overlay_start_1:
0x0: {  	(tag) =	ssettag $0x1  }
0x1: {  	s1 =	rddreg [dreg:$0x0]  }
0x2: {  	s7 =	rddreg [dreg:$0x1]  }
0x3: {  	s2 =	rddreg [dreg:$0x2]  }
0x4: {  	s3 =	srdreg.scid;
	s4 =	simm.s32 $0x0;
	s0 =	stileid.u32  }
0x5: {  	s17 =	simm.s32 $0x1000;
	s18 =	simm.s32 $0x3;
	s19 =	simm.s32 $0x800  }
0x6: {  	s20 =	simm.s32 $0x2;
	s21 =	simm.s32 $0x80;
	s22 =	simm.s32 $0x400  }
0x7: {  	s23 =	simm.s32 $0xC00;
	s24 =	simm.s32 $0x1;
	s25 =	simm.s32 $0x0  }
0x8: {  	s8 =	sand.u32 $0x1, s3;
	[smem:$0x7FF] =	sst s4;
	s9 =	smul.u32 $0x14000, s0  }
0x9: {  	s5 =	sadd.s32 $0x16400, s7;
	s10 =	sshll.u32 s0, $0x1;
	s11 =	smul.u32 $0x50000, s0  }
0xa: {  	s6 =	smul.u32 $0x140000, s8;
	_ =	strace $0x8000004D;
	s10 =	sor.u32 s8, s10  }
0xb: {  	s8 =	ssub.s32 $0x2, s8;
	s11 =	sshrl.u32 s11, $0x2;
	s14 =	smul.u32 $0x2780, s10  }
0xc: {  	s30 =	sshrl.u32 s8, $0x1;
	s9 =	sadd.s32 s9, s6;
	s6 =	sadd.s32 $0x20200, s7  }
0xd: {  	s16 =	ssub.s32 s8, s30;
	s9 =	sshrl.u32 s9, $0x3;
	s31 =	sshrl.u32 s14, $0x3  }
0xe: {  	s14 =	sadd.s32 $0x100, s14;
	s16 =	smax.u32 s16, $0x1;
	s15 =	sadd.s32 s9, s7  }
0xf: {  	s7 =	sadd.s32 s11, s2;
	s10 =	sadd.s32 s1, s31;
	s13 =	sadd.s32 $0x10, s31  }
0x10: {  	s11 =	sadd.s32 s5, s31;
	s8 =	sadd.s32 $0x8000, s7;
	s9 =	sadd.s32 $0x10000, s7  }
0x11: {  	v0 =	vimm.f32 $0.0e+00;
	s12 =	sadd.s32 s1, s13;
	s13 =	sadd.s32 s5, s13;
	s15 =	sadd.s32 $0x47400, s15  }
.LBB2_1:
0x12: {  	s26 =	simm.s32 $0x0;
	s28 =	simm.s32 $0x200  }
.LBB2_2:
0x13: {  	p0 =	sne.s32 s28, $0x1FE00;
	[tilespmem:s26+$0x1070] =	vst v0  }
0x14: {  	[tilespmem:s26+$0x1000] =	vst v0  }
0x15: {  	[tilespmem:s26+$0x1010] =	vst v0  }
.Ltmp0:
0x16: {  	[tilespmem:s26+$0x1020] =	vst v0;
	(pc) =	sbr.rel @p0 .LBB2_2-.Ltmp0, $4  }
0x17: {  	[tilespmem:s26+$0x1030] =	vst v0  }
0x18: {  	[tilespmem:s26+$0x1040] =	vst v0  }
0x19: {  	[tilespmem:s26+$0x1050] =	vst v0  }
0x1a: {  	[tilespmem:s26+$0x1060] =	vst v0;
	s26 =	sshra.s32 s28, $0x2;
	s28 =	sadd.s32 $0x200, s28  }
0x1b: {  	[tilespmem:s26+$0x1070] =	vst v0  }
0x1c: {  	[tilespmem:s26+$0x1000] =	vst v0  }
0x1d: {  	[tilespmem:s26+$0x1010] =	vst v0  }
0x1e: {  	[tilespmem:s26+$0x1020] =	vst v0  }
0x1f: {  	[tilespmem:s26+$0x1030] =	vst v0  }
0x20: {  	[tilespmem:s26+$0x1040] =	vst v0  }
0x21: {  	[tilespmem:s26+$0x1050] =	vst v0  }
0x22: {  	[tilespmem:s26+$0x1060] =	vst v0  }
0x23: {  	[spmem:s7] =	stream.linear.scatter [tilespmem:s17], [sflag:$0x3], $0x8000, $0x38;
	[tilespmem:$0x1D000] =	vst v63  }
0x24: {  	_ =	swait.ge [sflag:s18], $0x8000  }
0x25: {  	[sflag:s18] =	ssyncset.done $0x0  }
0x26: {  	[sflag:s18] =	ssyncadd.s32 $0xFFFF8000  }
0x27: {  	[spmem:s8] =	stream.linear.scatter [tilespmem:s17], [sflag:$0x3], $0x8000, $0x38;
	[tilespmem:$0x1D000] =	vst v63  }
0x28: {  	_ =	swait.ge [sflag:s18], $0x8000  }
0x29: {  	[sflag:s18] =	ssyncset.done $0x0  }
0x2a: {  	[sflag:s18] =	ssyncadd.s32 $0xFFFF8000  }
0x2b: {  	[spmem:s9] =	stream.linear.scatter [tilespmem:s17], [sflag:$0x3], $0x4000, $0x38;
	[tilespmem:$0x1D000] =	vst v63  }
0x2c: {  	_ =	swait.ge [sflag:s18], $0x4000  }
0x2d: {  	[sflag:s18] =	ssyncset.done $0x0  }
0x2e: {  	[sflag:s18] =	ssyncadd.s32 $0xFFFFC000  }
0x2f: {  	s3 =	simm.s32 $0x0;
	[bflag:$0x0] =	sbarrier.arrive $0xFFFF  }
0x30: {  	[tilespmem:s3], [sflag:$0x2] =	stream.linear.gather [hbm4b:s10+s3], $0x80, $0x38;
	[tilespmem:$0x1D000] =	vst v63  }
0x31: {  	_ = 	snop  }
0x32: {  	[tilespmem:s19], [sflag:$0x2] =	stream.linear.gather [hbm4b:s11+s3], $0x80, $0x38;
	[tilespmem:$0x1D000] =	vst v63  }
0x33: {  	_ =	swait.ge [sflag:s20], $0x80  }
0x34: {  	[sflag:s20] =	ssyncset.done $0x0  }
0x35: {  	[sflag:s20] =	ssyncadd.s32 $0xFFFFFF80  }
0x36: {  	_ =	swait.ge [sflag:s20], $0x80  }
0x37: {  	[sflag:s20] =	ssyncset.done $0x0  }
0x38: {  	[sflag:s20] =	ssyncadd.s32 $0xFFFFFF80  }
0x39: {  	[tilespmem:s17], [sflag:$0x1] =	stream.indirect.gather [hbm4b:s6+s21], $0x80, s3, s21, $0xb8;
	[tilespmem:$0x1D000] =	vst v63  }
0x3a: {  	_ = 	snop  }
0x3b: {  	[tilespmem:s22], [sflag:$0x2] =	stream.linear.gather [hbm4b:s12+s3], $0x80, $0x38;
	[tilespmem:$0x1D000] =	vst v63  }
0x3c: {  	_ = 	snop  }
0x3d: {  	[tilespmem:s23], [sflag:$0x2] =	stream.linear.gather [hbm4b:s13+s3], $0x80, $0x38;
	[tilespmem:$0x1D000] =	vst v63  }
0x3e: {  	_ =	swait.ge [sflag:s24], $0x4000  }
0x3f: {  	[sflag:s24] =	ssyncset.done $0x0  }
0x40: {  	[sflag:s24] =	ssyncadd.s32 $0xFFFFC000  }
0x41: {  	_ =	swait.ge [sflag:s20], $0x80  }
0x42: {  	[sflag:s20] =	ssyncset.done $0x0  }
0x43: {  	s28 =	sand.u32 $0x1, s3;
	[sflag:s20] =	ssyncadd.s32 $0xFFFFFF80  }
0x44: {  	s29 =	sxor.u32 $0x1, s28;
	_ =	swait.ge [sflag:s20], $0x80  }
0x45: {  	s30 =	sshll.u32 s29, $0xE;
	[sflag:s20] =	ssyncset.done $0x0  }
0x46: {  	s29 =	sshll.u32 s29, $0xA;
	s30 =	sor.u32 $0x1000, s30;
	[sflag:s20] =	ssyncadd.s32 $0xFFFFFF80  }
0x47: {  	[tilespmem:s30], [sflag:$0x1] =	stream.indirect.gather [hbm4b:s6+s21], $0x80, s29, s21, $0xb8;
	[tilespmem:$0x1D000] =	vst v63  }
0x48: {  	s26 =	smin.u32 s3, $0x4C;
	s31 =	sshll.u32 s28, $0xA;
	s29 =	sshll.u32 s28, $0xE  }
0x49: {  	s26 =	sshll.u32 s26, $0x7;
	s28 =	sor.u32 $0x800, s31;
	s29 =	sor.u32 $0x1000, s29  }
0x4a: {  	[spmem:s2] =	stream.indirect.scatter.add.f32 [tilespmem:s29], [sflag:$0x3], $0x80, s28, s21, $0xb8;
	[tilespmem:$0x1D000] =	vst v63  }
0x4b: {  	s26 =	sadd.s32 s26, s14;
	_ =	swait.ge [sflag:s18], $0x4000  }
0x4c: {  	s29 =	sshrl.u32 s26, $0x3;
	[sflag:s18] =	ssyncset.done $0x0  }
0x4d: {  	s26 =	sadd.s32 s1, s29;
	[sflag:s18] =	ssyncadd.s32 $0xFFFFC000  }
0x4e: {  	[tilespmem:s31], [sflag:$0x2] =	stream.linear.gather [hbm4b:s26+s4], $0x80, $0x38;
	[tilespmem:$0x1D000] =	vst v63  }
0x4f: {  	s29 =	sadd.s32 s5, s29;
	s26 =	simm.s32 $0x1  }
.LBB2_4:
0x50: {  	p0 =	sne.s32 s26, $0x4E;
	s30 =	smov.u32 s26;
	s26 =	sadd.s32 $0x1, s26  }
0x51: {  	[tilespmem:s28], [sflag:$0x2] =	stream.linear.gather [hbm4b:s29+s4], $0x80, $0x38;
	[tilespmem:$0x1D000] =	vst v63  }
0x52: {  	_ =	swait.ge [sflag:s24], $0x4000  }
0x53: {  	[sflag:s24] =	ssyncset.done $0x0  }
0x54: {  	[sflag:s24] =	ssyncadd.s32 $0xFFFFC000  }
0x55: {  	_ =	swait.ge [sflag:s20], $0x80  }
0x56: {  	[sflag:s20] =	ssyncset.done $0x0  }
0x57: {  	s28 =	sand.u32 $0x1, s30;
	[sflag:s20] =	ssyncadd.s32 $0xFFFFFF80  }
0x58: {  	s29 =	sxor.u32 $0x1, s28;
	s31 =	sshll.u32 s28, $0xE;
	_ =	swait.ge [sflag:s20], $0x80  }
0x59: {  	s3 =	sshll.u32 s28, $0xA;
	s0 =	sshll.u32 s29, $0xE;
	[sflag:s20] =	ssyncset.done $0x0  }
0x5a: {  	s28 =	sshll.u32 s29, $0xA;
	s0 =	sor.u32 $0x1000, s0;
	[sflag:s20] =	ssyncadd.s32 $0xFFFFFF80  }
0x5b: {  	[tilespmem:s0], [sflag:$0x1] =	stream.indirect.gather [hbm4b:s6+s21], $0x80, s28, s21, $0xb8;
	[tilespmem:$0x1D000] =	vst v63  }
0x5c: {  	s29 =	smin.u32 s30, $0x4C;
	s0 =	sor.u32 $0x1000, s31;
	s28 =	sor.u32 $0x800, s3  }
0x5d: {  	[spmem:s2] =	stream.indirect.scatter.add.f32 [tilespmem:s0], [sflag:$0x3], $0x80, s28, s21, $0xb8;
	[tilespmem:$0x1D000] =	vst v63  }
.Ltmp1:
0x5e: {  	s0 =	sshll.u32 s29, $0x7;
	_ =	swait.ge [sflag:s18], $0x4000;
	(pc) =	sbr.rel @p0 .LBB2_4-.Ltmp1, $4  }
0x5f: {  	s0 =	sadd.s32 s0, s14;
	[sflag:s18] =	ssyncset.done $0x0  }
0x60: {  	s0 =	sshrl.u32 s0, $0x3;
	[sflag:s18] =	ssyncadd.s32 $0xFFFFC000  }
0x61: {  	s30 =	sadd.s32 s1, s0;
	s29 =	sadd.s32 s5, s0  }
0x62: {  	[tilespmem:s3], [sflag:$0x2] =	stream.linear.gather [hbm4b:s30+s4], $0x80, $0x38;
	[tilespmem:$0x1D000] =	vst v63  }
0x63: {  	[tilespmem:s28], [sflag:$0x2] =	stream.linear.gather [hbm4b:s29+s4], $0x80, $0x38;
	[tilespmem:$0x1D000] =	vst v63  }
0x64: {  	_ =	swait.ge [sflag:s24], $0x4000  }
0x65: {  	[sflag:s24] =	ssyncset.done $0x0  }
0x66: {  	[sflag:s24] =	ssyncadd.s32 $0xFFFFC000  }
0x67: {  	_ =	swait.ge [sflag:s20], $0x80  }
0x68: {  	[sflag:s20] =	ssyncset.done $0x0  }
0x69: {  	[sflag:s20] =	ssyncadd.s32 $0xFFFFFF80  }
0x6a: {  	s0 =	stileid.u32;
	_ =	swait.ge [sflag:s20], $0x80  }
0x6b: {  	s3 =	sshrl.u32 s7, $0x3;
	s25 =	sadd.s32 $0x1, s25;
	[sflag:s20] =	ssyncset.done $0x0  }
0x6c: {  	s0 =	sshll.u32 s0, $0x6;
	p0 =	sne.s32 s25, s16;
	[sflag:s20] =	ssyncadd.s32 $0xFFFFFF80  }
.Ltmp2:
0x6d: {  	s0 =	sor.u32 $0x1C03, s0;
	[bflag:$0x0] =	sbarrier.arrive $0xFFFF;
	(pc) =	sbr.rel @p0 .LBB2_1-.Ltmp2, $4  }
0x6e: {  	[hbm:s15], [sflag:s0] =	dma.local [spmem:s3], $0x2800  }
0x6f: {  	_ =	swait.ge [sflag:s18], $0x2800  }
0x70: {  	[sflag:s18] =	ssyncset.done $0x0  }
0x71: {  	[sflag:s18] =	ssyncadd.s32 $0xFFFFD800  }
0x72: {  	_ =	sfence.sel $0x180000  }
0x73: {  	[bflag:$0x0] =	sbarrier.arrive $0xFFFF  }
0x74: {  	_ =	strace $0x9000004D  }
0x75: {  	s0 =	stileid.u32;
	[bflag:$0x2] =	sbarrier.arrive $0xFFFF  }
0x76: {  	p0 =	sne.s32 s0, $0x0;
	s0 =	rddreg [dreg:$0x3]  }
0x77: {  	s0 =	sadd.s32 @!p0 $0x100000, s0  }
0x78: {  	[sflag:s0] =	ssyncadd.tile.s32 @!p0 $0x1;
	_ =	shalt  }
.Lfunc_end2:
_tile_overlayer_lowered:
.L_overlay_start_2:
0x79: {  	(tag) =	ssettag $0x2  }
0x7a: {  	s0 =	rddreg [dreg:$0x0];
	s2 =	stileid.u32  }
0x7b: {  	s1 =	rddreg [dreg:$0x1];
	p0 =	sne.s32 s2, $0x0  }
0x7c: {  	s3 =	rddreg [dreg:$0x2];
	[bflag:$0x3] =	sbarrier.arrive $0xFFFF;
	s2 =	simm.s32 @!p0 $0x1C03  }
0x7d: {  	[timem:s3], [sflag:s2] =	dma.local @!p0 [hbm:s0], s1  }
0x7e: {  	s0 =	simm.s32 @!p0 $0x3  }
0x7f: {  	_ =	swait.ge @!p0 [sflag:s0], s1  }
0x80: {  	s1 =	ssub.s32 @!p0 $0x0, s1;
	[sflag:s0] =	ssyncset.done @!p0 $0x0  }
0x81: {  	[sflag:s0] =	ssyncadd.s32 @!p0 s1  }
0x82: {  	[bflag:$0x3] =	sbarrier.arrive $0xFFFF  }
0x83: {  	_ =	shalt  }

// kernel: kernel.8.cloned.1.call-start
scs
__scs_entry_jumppad:
0x0: {  	(pc) =	sbr.rel $0x88, $3  }
0x1: {  	(tag) =	ssettag $0x0;
	lr =	simm.s32 $0x1  }
0x2: {  	[smem:$0x3F9B] =	sst lr;
	_ =	strace $0xD0000000  }
0x3: {  	_ = 	snop  }
0x4: {  	_ = 	snop  }
0x5: {  	_ = 	snop  }
0x6: {  	_ = 	snop  }
0x7: {  	_ = 	snop  }
__scs_overlays_trampoline_lowered:
0x8: {  	[smem:$0x3FAA] =	sst s0  }
0x9: {  	[smem:$0x3FAB] =	sst s1  }
0xa: {  	[smem:$0x3FAC] =	sst s2  }
0xb: {  	[smem:$0x3FAD] =	sst s3  }
0xc: {  	[smem:$0x3FAE] =	sst s4  }
0xd: {  	[smem:$0x3FAF] =	sst s5  }
0xe: {  	[smem:$0x3FB0] =	sst s6  }
0xf: {  	[smem:$0x3FB1] =	sst s7  }
0x10: {  	[smem:$0x3FB2] =	sst s8  }
0x11: {  	[smem:$0x3FB3] =	sst s9;
	s0 =	simm.s32 @!p0 $0x0  }
0x12: {  	s1 =	sld [smem:$0x3F99];
	s0 =	simm.s32 @p0 $0x1  }
0x13: {  	[smem:$0x3FB4] =	sst s0;
	s0 =	simm.s32 @!p1 $0x0  }
0x14: {  	s2 =	sld [smem:$0x3F98];
	s0 =	simm.s32 @p1 $0x1  }
0x15: {  	[smem:$0x3FB5] =	sst s0;
	s0 =	simm.s32 @!p2 $0x0  }
0x16: {  	s3 =	sld [smem:$0x3FDB];
	s0 =	simm.s32 @p2 $0x1  }
0x17: {  	s4 =	simm.s32 $0x1BF5;
	[smem:$0x3FB7] =	sst s0  }
0x18: {  	s0 =	sld [smem:$0x3F9A];
	_ =	swait.ge [sflag:s4], $0x0  }
0x19: {  	s7 =	sld [smem:$0x3F9B]  }
0x1a: {  	s8 =	sadd.s32 $0xFFFFE003, lr  }
0x1b: {  	s9 =	sadd.s32 $0xFFFFFEF7, lr;
	s5 =	simm.s32 $0xFFFFFFFF;
	p2 =	slt.u32 s8, $0xFFFFF086  }
0x1c: {  	p1 =	slt.u32 s9, $0xF7A;
	s5 =	simm.s32 @!p2 $0x0  }
0x1d: {  	s5 =	simm.s32 @p1 $0x1;
	p0 =	seq.s32 s7, s2  }
0x1e: {  	s7 =	smul.u32 @!p0 $0xF7A, s2;
	p2 =	seq.s32 @!p0 s5, $0x0  }
0x1f: {  	s9 =	smul.u32 $0xF7A, s1;
	s8 =	simm.s32 @!p0 $0x1BF5;
	p2 =	por !p2, p0  }
0x20: {  	[sflag:s8] =	ssyncset.s32 @!p0 $0xFFFFF086;
	s6 =	sadd.s32 @!p0 s3, s7;
	s7 =	simm.s32 @!p0 $0x108  }
0x21: {  	s3 =	sadd.s32 s3, s9;
	s6 =	sadd.s32 @!p0 $0x88, s6;
	s7 =	simm.s32 @p2 $0x1082  }
0x22: {  	[simem:s7], [sflag:s8] =	dma.local @!p0 [hbm:s6], $0xF7A  }
0x23: {  	s9 =	sor.u32 $0xD0000000, s2;
	s6 =	simm.s32 $0x108;
	_ =	swait.ge @!p0 [sflag:s8], $0x0  }
0x24: {  	s3 =	sadd.s32 $0x88, s3;
	s6 =	simm.s32 @!p1 $0x1082;
	[sflag:s4] =	ssyncset.s32 $0xFFFFF086  }
0x25: {  	[simem:s6], [sflag:s4] =	dma.local [hbm:s3], $0xF7A  }
0x26: {  	[smem:$0x3F9B] =	sst s1;
	(tag) =	ssettag s2;
	_ =	strace s9  }
0x27: {  	s1 =	sld [smem:$0x3FAB]  }
0x28: {  	s2 =	sld [smem:$0x3FAC]  }
0x29: {  	s4 =	sld [smem:$0x3FAE]  }
0x2a: {  	p0 =	seq.s32 s5, $0x0;
	s5 =	sld [smem:$0x3FAF]  }
0x2b: {  	s6 =	sld [smem:$0x3FB0]  }
0x2c: {  	s7 =	sld [smem:$0x3FB1]  }
0x2d: {  	s3 =	simm.s32 $0x108;
	s8 =	sld [smem:$0x3FB2]  }
0x2e: {  	s3 =	simm.s32 @!p0 $0x1082;
	s9 =	sld [smem:$0x3FB3]  }
0x2f: {  	lr =	sadd.s32 s0, s3;
	s0 =	sld [smem:$0x3FAA]  }
0x30: {  	s3 =	sld [smem:$0x3FAD]  }
0x31: {  	[smem:$0x3FB6] =	sst s10  }
0x32: {  	s10 =	sld [smem:$0x3FB4];
	_ =	sdelay $0x3  }
0x33: {  	p0 =	seq.s32 s10, $0x1;
	s10 =	sld [smem:$0x3FB6];
	_ =	sdelay $0x3  }
0x34: {  	[smem:$0x3FB6] =	sst s10  }
0x35: {  	s10 =	sld [smem:$0x3FB5];
	_ =	sdelay $0x3  }
0x36: {  	p1 =	seq.s32 s10, $0x1;
	s10 =	sld [smem:$0x3FB6];
	_ =	sdelay $0x3  }
0x37: {  	[smem:$0x3FB6] =	sst s10  }
0x38: {  	s10 =	sld [smem:$0x3FB7]  }
0x39: {  	_ = 	snop;
	(pc) =	sbr.ind lr, $3  }
0x3a: {  	_ = 	snop  }
0x3b: {  	_ = 	snop  }
0x3c: {  	p2 =	seq.s32 s10, $0x1;
	s10 =	sld [smem:$0x3FB6]  }
0x3d: {  	_ =	shalt  }
0x3e: {  	_ =	shalt  }
0x3f: {  	_ =	shalt  }
0x40: {  	_ =	shalt  }
0x41: {  	_ =	shalt  }
0x42: {  	_ =	shalt  }
0x43: {  	_ =	shalt  }
0x44: {  	_ =	shalt  }
0x45: {  	_ =	shalt  }
0x46: {  	_ =	shalt  }
0x47: {  	_ =	shalt  }
0x48: {  	_ =	shalt  }
0x49: {  	_ =	shalt  }
0x4a: {  	_ =	shalt  }
0x4b: {  	_ =	shalt  }
0x4c: {  	_ =	shalt  }
0x4d: {  	_ =	shalt  }
0x4e: {  	_ =	shalt  }
0x4f: {  	_ =	shalt  }
0x50: {  	_ =	shalt  }
0x51: {  	_ =	shalt  }
0x52: {  	_ =	shalt  }
0x53: {  	_ =	shalt  }
0x54: {  	_ =	shalt  }
0x55: {  	_ =	shalt  }
0x56: {  	_ =	shalt  }
0x57: {  	_ =	shalt  }
0x58: {  	_ =	shalt  }
0x59: {  	_ =	shalt  }
0x5a: {  	_ =	shalt  }
0x5b: {  	_ =	shalt  }
0x5c: {  	_ =	shalt  }
0x5d: {  	_ =	shalt  }
0x5e: {  	_ =	shalt  }
0x5f: {  	_ =	shalt  }
0x60: {  	_ =	shalt  }
0x61: {  	_ =	shalt  }
0x62: {  	_ =	shalt  }
0x63: {  	_ =	shalt  }
0x64: {  	_ =	shalt  }
0x65: {  	_ =	shalt  }
0x66: {  	_ =	shalt  }
0x67: {  	_ =	shalt  }
0x68: {  	_ =	shalt  }
0x69: {  	_ =	shalt  }
0x6a: {  	_ =	shalt  }
0x6b: {  	_ =	shalt  }
0x6c: {  	_ =	shalt  }
0x6d: {  	_ =	shalt  }
0x6e: {  	_ =	shalt  }
0x6f: {  	_ =	shalt  }
0x70: {  	_ =	shalt  }
0x71: {  	_ =	shalt  }
0x72: {  	_ =	shalt  }
0x73: {  	_ =	shalt  }
0x74: {  	_ =	shalt  }
0x75: {  	_ =	shalt  }
0x76: {  	_ =	shalt  }
0x77: {  	_ =	shalt  }
0x78: {  	_ =	shalt  }
0x79: {  	_ =	shalt  }
0x7a: {  	_ =	shalt  }
0x7b: {  	_ =	shalt  }
0x7c: {  	_ =	shalt  }
0x7d: {  	_ =	shalt  }
0x7e: {  	_ =	shalt  }
0x7f: {  	_ =	shalt  }
0x80: {  	_ =	shalt  }
0x81: {  	_ =	shalt  }
0x82: {  	_ =	shalt  }
0x83: {  	_ =	shalt  }
0x84: {  	_ =	shalt  }
0x85: {  	_ =	shalt  }
0x86: {  	_ =	shalt  }
0x87: {  	_ =	shalt  }
.Lfunc_end0:
.L_simem_size_0:
called_computation_lowered:
.L_overlay_start_0:
0x88: {  	s2 =	sld [smem:$0x3FD9]  }
0x89: {  	s3 =	sld [smem:$0x3FFE];
	_ =	sdelay $0x1  }
0x8a: {  	s1 =	srdreg.scid  }
0x8b: {  	s0 =	sand.u32 $0x1, s1  }
0x8c: {  	s16 =	sshll.u32 s0, $0xA;
	s2 =	sadd.s32 s3, s2  }
0x8d: {  	s2 =	sadd.s32 s2, s16  }
0x8e: {  	[smem:$0x3FC2] =	sst s2  }
0x8f: {  	_ = 	snop  }
0x90: {  	(tm) =	ssettm $0x1  }
0x91: {  	s17 =	sld [smem:$0x3FFB];
	_ =	sdelay $0x3  }
0x92: {  	_ =	strace s17  }
0x93: {  	s2 =	sld [smem:$0x3FFC];
	_ =	sdelay $0x3  }
0x94: {  	_ =	strace s2  }
0x95: {  	s2 =	sld [smem:$0x3FFD];
	_ =	sdelay $0x3  }
0x96: {  	_ =	strace s2  }
0x97: {  	_ =	strace $0x8FFFFFFF  }
0x98: {  	s18 =	sld [smem:$0x3FDB];
	_ =	sdelay $0x1  }
0x99: {  	s19 =	simm.s32 $_scs_section_size  }
0x9a: {  	s4 =	simm.s32 $_size__tile_overlayer_lowered;
	s5 =	simm.s32 $_tile_overlayer_lowered  }
0x9b: {  	s22 =	simm.s32 $0x1BFF;
	s21 =	sshll.u32 s5, $0x1;
	s2 =	sadd.s32 s19, s18  }
0x9c: {  	s6 =	simm.s32 $0x0;
	s20 =	sshll.u32 s4, $0x1;
	s4 =	sadd.s32 s21, s2  }
0x9d: {  	[timem:s6], [sflag:s22] =	dma.local [hbm:s4], s20  }
0x9e: {  	_ =	swait.ge [sflag:s22], s20  }
0x9f: {  	s3 =	ssub.s32 $0x0, s20;
	[sflag:s22] =	ssyncset.done $0x0  }
0xa0: {  	[sflag:s22] =	ssyncadd.s32 s3;
	_ =	sdelay $0x1  }
0xa1: {  	s23 =	simm.s32 $0x1B8B  }
0xa2: {  	_ =	swait.ge [sflag:s23], $0x1  }
0xa3: {  	[sflag:s23] =	ssyncset.done $0x0  }
0xa4: {  	s25 =	simm.s32 $0x1B8E;
	s24 =	sld [smem:$0x3FFE];
	[sflag:s23] =	ssyncadd.s32 $0xFFFFFFFF  }
0xa5: {  	s26 =	simm.s32 $execute0_lowered;
	[smem:$0x3FD2] =	sst s25  }
0xa6: {  	s4 =	sshll.u32 s26, $0x1;
	_ =	strace $0x80000046;
	[dreg:$0x1] =	wrdreg $0xFFFFFFFF  }
0xa7: {  	s28 =	simm.s32 $_size_execute0_lowered;
	s2 =	sadd.s32 s2, s4;
	[dreg:$0x0] =	wrdreg $0x0  }
0xa8: {  	s4 =	sshll.u32 s28, $0x1;
	[dreg:$0x2] =	wrdreg s2  }
0xa9: {  	[dreg:$0x3] =	wrdreg s4  }
0xaa: {  	[dreg:$0x4] =	wrdreg $0xC0  }
0xab: {  	_ =	task [dreg:s6], $0x5FFFF  }
0xac: {  	[dreg:$0x1] =	wrdreg $0xFFFFFFFF  }
0xad: {  	[dreg:$0x0] =	wrdreg $0x60  }
0xae: {  	[dreg:$0x2] =	wrdreg s24  }
0xaf: {  	[dreg:$0x3] =	wrdreg $0x9  }
0xb0: {  	_ =	task.clear_ibuf [dreg:s6], $0x4FFFF;
	_ =	strace $0x90000046  }
0xb1: {  	s29 =	simm.s32 $0x9;
	_ =	strace $0x80000048  }
0xb2: {  	_ =	swait.ge [sflag:s29], $0x1  }
0xb3: {  	[sflag:s29] =	ssyncadd.s32 $0xFFFFFFFF  }
0xb4: {  	_ =	strace $0x90000048  }
0xb5: {  	_ =	sfence  }
0xb6: {  	s30 =	sld [smem:$0x0];
	_ =	sdelay $0x2  }
0xb7: {  	s31 =	sshll.u32 s1, $0xD;
	s1 =	sshrl.u32 s1, $0x2  }
0xb8: {  	s3 =	sand.u32 $0x4000, s31;
	s1 =	sadd.s32 s1, s30  }
0xb9: {  	s0 =	sor.u32 s3, s0;
	s1 =	sshll.u32 s1, $0x11  }
0xba: {  	s0 =	sor.u32 s1, s0  }
0xbb: {  	s0 =	sadd.s32 $0x8F2B, s0  }
0xbc: {  	[sflag:s0] =	ssyncadd.remote.s32 $0x1  }
0xbd: {  	_ =	sfence.sel $0xFFFF  }
0xbe: {  	[dreg:$0x0] =	wrdreg $0xFFFFFFFF;
	(pc) =	sbr.abs _section_cstart, $3  }
0xbf: {  	[dreg:$0x1] =	wrdreg $0xFFFFFFFF  }
0xc0: {  	_ =	task.clear_ibuf [dreg:s6], $0x2FFFF;
	_ =	strace $0x9FFFFFFF  }
0xc1: {  	(tm) =	ssettm $0x7FFFFFFF  }
tec
execute0_lowered:
.L_overlay_start_1:
0x0: {  	(tag) =	ssettag $0x1  }
0x1: {  	s1 =	srdreg.scid  }
0x2: {  	s0 =	stileid.u32;
	s5 =	rddreg [dreg:$0x0]  }
0x3: {  	s6 =	simm.s32 $0x80;
	s7 =	simm.s32 $0x400;
	s8 =	simm.s32 $0x1  }
0x4: {  	s3 =	sand.u32 $0x1, s1;
	s29 =	sshrl.u32 s0, $0x2;
	s2 =	sshll.u32 s0, $0x8  }
0x5: {  	s4 =	smul.u32 $0x13C00, s29;
	s30 =	sshll.u32 s3, $0x7;
	s2 =	sand.u32 $0x300, s2  }
0x6: {  	s9 =	simm.s32 $0x2780;
	s1 =	rddreg [dreg:$0x1];
	s2 =	sor.u32 s30, s2  }
0x7: {  	s3 =	ssub.s32 $0x2, s3;
	s4 =	sor.u32 s4, s2;
	s2 =	simm.s32 $0x0  }
0x8: {  	s31 =	sshrl.u32 s3, $0x1;
	s4 =	sshrl.u32 s4, $0x3;
	[smem:$0x7FF] =	sst s2  }
0x9: {  	s4 =	sadd.s32 s4, s5;
	_ =	strace $0x80000047;
	s5 =	ssub.s32 s3, s31  }
0xa: {  	v0 =	vimm.f32 $0.0e+00;
	v1 =	vimm.f32 $1.000000000e+00;
	s3 =	sadd.s32 $0x2800, s4;
	s4 =	sadd.s32 $0xC600, s4;
	s5 =	smax.u32 s5, $0x1  }
.LBB2_1:
0xb: {  	s10 =	simm.s32 $0x40;
	s11 =	simm.s32 $0x0  }
.LBB2_2:
0xc: {  	p0 =	sne.s32 s10, $0x9C00;
	[tilespmem:s11+$0x2780] =	vst v0;
	s11 =	smov.u32 s10;
	s10 =	sadd.s32 $0x40, s10  }
.Ltmp0:
0xd: {  	(pc) =	sbr.rel @p0 .LBB2_2-.Ltmp0, $2  }
0xe: {  	_ =	sdelay $0x2  }
0xf: {  	s11 =	sshra.s32 s11, $0x2  }
0x10: {  	[tilespmem:s11+$0x2780] =	vst v0;
	s10 =	simm.s32 $0x0  }
0x11: {  	[tilespmem:s10], [sflag:$0x1] =	stream.strided.gather [hbm4b:s3+s6], $0x2780, s7, s6, $0x38;
	[tilespmem:$0x4F00] =	vst v63  }
0x12: {  	_ =	swait.ge [sflag:s8], $0x2780  }
0x13: {  	[sflag:s8] =	ssyncset.done $0x0  }
0x14: {  	s11 =	simm.s32 $0x0;
	s10 =	simm.s32 $0x40;
	[sflag:s8] =	ssyncadd.s32 $0xFFFFD880  }
.LBB2_4:
0x15: {  	p0 =	sne.s32 s10, $0x9C00;
	v2 =	vld [tilespmem:s11+$0x0];
	_ =	sdelay $0x3  }
.Ltmp1:
0x16: {  	(pc) =	sbr.rel @p0 .LBB2_4-.Ltmp1, $2  }
0x17: {  	_ =	sdelay $0x2  }
0x18: {  	s11 =	sshra.s32 s10, $0x2;
	s10 =	sadd.s32 $0x40, s10;
	[tilespmem:v2+s9+$0x0] =	vst.idx.add.f32.msk $0xffff, v1  }
0x19: {  	v2 =	vld [tilespmem:s11+$0x0];
	_ =	sdelay $0x5  }
0x1a: {  	s2 =	sadd.s32 $0x1, s2  }
0x1b: {  	p0 =	sne.s32 s2, s5  }
.Ltmp2:
0x1c: {  	[tilespmem:v2+s9+$0x0] =	vst.idx.add.f32.msk $0xffff, v1;
	(pc) =	sbr.rel @p0 .LBB2_1-.Ltmp2, $4  }
0x1d: {  	[hbm4b:s4+s6] =	stream.strided.scatter [tilespmem:s9], [sflag:$0x1], $0x2780, s7, s6, $0x38;
	[tilespmem:$0x4F00] =	vst v63  }
0x1e: {  	_ =	swait.ge [sflag:s8], $0x2780  }
0x1f: {  	[sflag:s8] =	ssyncset.done $0x0  }
0x20: {  	[sflag:s8] =	ssyncadd.s32 $0xFFFFD880  }
0x21: {  	_ =	sfence.sel $0x180000  }
0x22: {  	[bflag:$0x0] =	sbarrier.arrive $0xFFFF  }
0x23: {  	p0 =	sne.s32 s0, $0x0;
	_ =	strace $0x90000047  }
0x24: {  	s0 =	sadd.s32 @!p0 $0x100000, s1;
	[bflag:$0x2] =	sbarrier.arrive $0xFFFF  }
0x25: {  	[sflag:s0] =	ssyncadd.tile.s32 @!p0 $0x1;
	_ =	shalt  }
.Lfunc_end2:
_tile_overlayer_lowered:
.L_overlay_start_2:
0x26: {  	(tag) =	ssettag $0x2  }
0x27: {  	s0 =	rddreg [dreg:$0x0];
	s2 =	stileid.u32  }
0x28: {  	s1 =	rddreg [dreg:$0x1];
	p0 =	sne.s32 s2, $0x0  }
0x29: {  	s3 =	rddreg [dreg:$0x2];
	[bflag:$0x3] =	sbarrier.arrive $0xFFFF;
	s2 =	simm.s32 @!p0 $0x1C01  }
0x2a: {  	[timem:s3], [sflag:s2] =	dma.local @!p0 [hbm:s0], s1  }
0x2b: {  	s0 =	simm.s32 @!p0 $0x1  }
0x2c: {  	_ =	swait.ge @!p0 [sflag:s0], s1  }
0x2d: {  	s1 =	ssub.s32 @!p0 $0x0, s1;
	[sflag:s0] =	ssyncset.done @!p0 $0x0  }
0x2e: {  	[sflag:s0] =	ssyncadd.s32 @!p0 s1  }
0x2f: {  	[bflag:$0x3] =	sbarrier.arrive $0xFFFF  }
0x30: {  	_ =	shalt  }

</sc_bundles>
